<compile_context>
chip_gen: v7x
topology: tpu7x:2x2x1
jax: 0.10.2.dev20260603
libtpu: 0.0.44.dev20260713+nightly
codegen_flags: <defaults>
</compile_context>

<pallas_src>
import functools

import jax
import jax.numpy as jnp
from jax import lax
from jax.experimental import pallas as pl
from jax.experimental.pallas import tpu as pltpu
from jax.experimental.pallas import tpu_sc as plsc

BATCH = 4096
SEQ = 200
HIDDEN = 64
VOCAB = 1000000
PADW = 128

NC = 2
NS = 16
NW = NC * NS

TOTAL = BATCH * SEQ
PER_W = TOTAL // NW
GRP = 128
CHUNK = 2 * GRP
NCHUNK = PER_W // CHUNK
IDXROWS = PER_W // GRP


@functools.cache
def _build_gather_kernel():
    mesh = plsc.VectorSubcoreMesh(core_axis_name="c", subcore_axis_name="s")
    return functools.partial(
        pl.kernel,
        mesh=mesh,
        out_type=jax.ShapeDtypeStruct((TOTAL, PADW), jnp.float32),
        scratch_types=[
            pltpu.VMEM((IDXROWS, GRP), jnp.int32),
            pltpu.VMEM((2, CHUNK, PADW), jnp.float32),
            pltpu.SemaphoreType.DMA,
            pltpu.SemaphoreType.DMA,
            pltpu.SemaphoreType.DMA,
            pltpu.SemaphoreType.DMA,
        ],
        compiler_params=pltpu.CompilerParams(use_tc_tiling_on_sc=True),
    )(_gather_body)


def _gather_body(idx_hbm, table_hbm, out_hbm, idx_v, rows_v,
                 sem_g0, sem_g1, sem_o0, sem_o1):
    wid = lax.axis_index("s") * NC + lax.axis_index("c")
    base = wid * PER_W
    gsems = (sem_g0, sem_g1)
    osems = (sem_o0, sem_o1)

    pltpu.sync_copy(idx_hbm.at[pl.ds(wid * IDXROWS, IDXROWS)], idx_v)

    def fire(c, b):
        for g in range(2):
            pltpu.async_copy(
                table_hbm.at[idx_v.at[2 * c + g]],
                rows_v.at[b, pl.ds(g * GRP, GRP)],
                gsems[b],
            )

    def store(c, b):
        pltpu.async_copy(
            rows_v.at[b], out_hbm.at[pl.ds(base + c * CHUNK, CHUNK)], osems[b]
        )

    def wait_gathers(b):
        for g in range(2):
            pltpu.make_async_copy(
                table_hbm.at[pl.ds(0, GRP)],
                rows_v.at[b, pl.ds(g * GRP, GRP)],
                gsems[b],
            ).wait()

    def wait_store(b):
        pltpu.make_async_copy(
            rows_v.at[b], out_hbm.at[pl.ds(base, CHUNK)], osems[b]
        ).wait()

    fire(0, 0)
    fire(1, 1)
    wait_gathers(0)
    store(0, 0)
    wait_store(0)
    fire(2, 0)
    wait_gathers(1)
    store(1, 1)

    def body(t, carry):
        c0 = 2 * t
        wait_store(1)
        fire(c0 + 1, 1)
        wait_gathers(0)
        store(c0, 0)
        wait_store(0)
        fire(c0 + 2, 0)
        wait_gathers(1)
        store(c0 + 1, 1)
        return carry

    lax.fori_loop(1, NCHUNK // 2 - 1, body, 0)

    wait_store(1)
    fire(NCHUNK - 1, 1)
    wait_gathers(0)
    store(NCHUNK - 2, 0)
    wait_gathers(1)
    store(NCHUNK - 1, 1)
    wait_store(0)
    wait_store(1)


def kernel(input_ids, W):
    idx = input_ids.reshape(TOTAL // GRP, GRP).astype(jnp.int32)
    Wp = jnp.pad(W, ((0, 0), (0, PADW - HIDDEN)))
    out = _build_gather_kernel()(idx, Wp)
    return out[:, :HIDDEN].reshape(BATCH, SEQ, HIDDEN)

# --- scband reference (transcript-rebuilt; emitter-appended) ---
"""Pipeline reference for scband-gpnembedding2-14972255994641 (READ-ONLY COPY).

The authoritative reference and input builder live on the scoring server;
editing this copy changes nothing except your own understanding.
"""

import jax, jax.numpy as jnp
import numpy as np

VOCAB = 1000000
HIDDEN = 64
BATCH = 4096
SEQ = 200

def setup_inputs(seed: int = 0) -> dict:
    key = jax.random.key(seed)
    k_idx, k_w = jax.random.split(key)
    input_ids = jax.random.randint(k_idx, (BATCH, SEQ), 0, VOCAB)
    W = jax.random.normal(k_w, (VOCAB, HIDDEN), dtype=jnp.float32) * 0.02
    # nn.Embedding(padding_idx=0): row 0 is initialized to zeros
    W = W.at[0].set(0.0)
    return {"input_ids": input_ids, "W": W}

def reference(input_ids, W):
    # Faithful translation of GPNEmbedding2.forward: embedding gather
    return jnp.take(W, input_ids, axis=0)

if __name__ == "__main__":
    import jax
    _d = setup_inputs()
    print(jax.jit(kernel)(*tuple(_d.values())))

</pallas_src>

<mosaic_0001>
#map = affine_map<(d0, d1) -> (0, 0)>
module attributes {stable_mosaic.version = 14 : i64} {
  func.func @_gather_body(%arg0: i32, %arg1: i32, %arg2: memref<6400x128xi32, #tpu.memory_space<hbm>>, %arg3: memref<1000000x128xf32, #tpu.memory_space<hbm>>, %arg4: memref<819200x128xf32, #tpu.memory_space<hbm>>, %arg5: memref<200x128xi32, #tpu.memory_space<vmem>>, %arg6: memref<2x256x128xf32, #tpu.memory_space<vmem>>, %arg7: memref<!tpu.dma_semaphore, #tpu.memory_space<semaphore_mem>>, %arg8: memref<!tpu.dma_semaphore, #tpu.memory_space<semaphore_mem>>, %arg9: memref<!tpu.dma_semaphore, #tpu.memory_space<semaphore_mem>>, %arg10: memref<!tpu.dma_semaphore, #tpu.memory_space<semaphore_mem>>) attributes {dimension_semantics = [#tpu.dimension_semantics<core_parallel>, #tpu.dimension_semantics<subcore_parallel>], iteration_bounds = array<i64: 2, 16>, scalar_prefetch = 0 : i64, scratch_operands = 6 : i64, tpu.core_type = #tpu.core_type<sc_vector_subcore>, window_params = [{transform_indices = #map}, {transform_indices = #map}, {transform_indices = #map}]} {
    %mul3A = arith.constant 2 : i32
    %mul3A_0 = arith.muli %arg1, %mul3A : i32
    %add3A = arith.addi %mul3A_0, %arg0 : i32
    %mul3A_1 = arith.constant 25600 : i32
    %mul3A_2 = arith.muli %add3A, %mul3A_1 : i32
    %mul3A_3 = arith.constant 200 : i32
    %mul3A_4 = arith.muli %add3A, %mul3A_3 : i32
    "tpu.region"() ({
      %run_scoped3A = tpu.sem_alloc : memref<!tpu.dma_semaphore, #tpu.memory_space<semaphore_mem>>
      %dma_start3A_336 = arith.constant 0 : i32
      %dma_start3A_337 = tpu.memref_slice %arg2[%mul3A_4, %dma_start3A_336] : memref<6400x128xi32, #tpu.memory_space<hbm>> -> memref<200x128xi32, #tpu.memory_space<hbm>>
      %dma_start3A_338 = arith.constant 0 : i32
      %dma_start3A_339 = tpu.memref_slice %arg2[%mul3A_4, %dma_start3A_338] : memref<6400x128xi32, #tpu.memory_space<hbm>> -> memref<200x128xi32, #tpu.memory_space<hbm>>
      tpu.enqueue_dma source(%dma_start3A_339 : memref<200x128xi32, #tpu.memory_space<hbm>>) target(%arg5 : memref<200x128xi32, #tpu.memory_space<vmem>>) target_semaphore(%run_scoped3A : memref<!tpu.dma_semaphore, #tpu.memory_space<semaphore_mem>>)
      %dma_wait3A_340 = arith.constant 0 : i32
      %dma_wait3A_341 = tpu.memref_slice %arg2[%mul3A_4, %dma_wait3A_340] : memref<6400x128xi32, #tpu.memory_space<hbm>> -> memref<200x128xi32, #tpu.memory_space<hbm>>
      %dma_wait3A_342 = arith.constant 0 : i32
      %dma_wait3A_343 = tpu.memref_slice %arg2[%mul3A_4, %dma_wait3A_342] : memref<6400x128xi32, #tpu.memory_space<hbm>> -> memref<200x128xi32, #tpu.memory_space<hbm>>
      tpu.wait_dma2 semaphore(%run_scoped3A : memref<!tpu.dma_semaphore, #tpu.memory_space<semaphore_mem>>) src(%dma_wait3A_343 : memref<200x128xi32, #tpu.memory_space<hbm>>) dst(%arg5 : memref<200x128xi32, #tpu.memory_space<vmem>>)
      tpu.yield
    }) : () -> ()
    %dma_start3A = arith.constant 0 : i32
    %dma_start3A_5 = arith.constant 0 : i32
    %dma_start3A_6 = arith.constant 0 : i32
    %dma_start3A_7 = arith.constant 0 : i32
    %dma_start3A_8 = tpu.memref_slice %arg6[%dma_start3A_5, %dma_start3A_6, %dma_start3A_7] : memref<2x256x128xf32, #tpu.memory_space<vmem>> -> memref<1x128x128xf32, #tpu.memory_space<vmem>>
    %dma_start3A_9 = tpu.memref_squeeze %dma_start3A_8 : memref<1x128x128xf32, #tpu.memory_space<vmem>> -> memref<128x128xf32, #tpu.memory_space<vmem>>
    %dma_start3A_10 = arith.constant 0 : i32
    %dma_start3A_11 = tpu.memref_slice %arg5[%dma_start3A, %dma_start3A_10] : memref<200x128xi32, #tpu.memory_space<vmem>> -> memref<1x128xi32, #tpu.memory_space<vmem>>
    %dma_start3A_12 = tpu.memref_squeeze %dma_start3A_11 : memref<1x128xi32, #tpu.memory_space<vmem>> -> memref<128xi32, #tpu.memory_space<vmem>>
    %dma_start3A_13 = arith.constant 0 : i32
    %dma_start3A_14 = arith.constant 0 : i32
    %dma_start3A_15 = tpu.memref_slice %arg3[%dma_start3A_13, %dma_start3A_14] : memref<1000000x128xf32, #tpu.memory_space<hbm>> -> memref<1000000x128xf32, #tpu.memory_space<hbm>>
    tpu.enqueue_indirect_dma source(%dma_start3A_15 : memref<1000000x128xf32, #tpu.memory_space<hbm>>) target(%dma_start3A_9 : memref<128x128xf32, #tpu.memory_space<vmem>>) offsets(%dma_start3A_12 : memref<128xi32, #tpu.memory_space<vmem>>) semaphore(%arg7 : memref<!tpu.dma_semaphore, #tpu.memory_space<semaphore_mem>>)
    %dma_start3A_16 = arith.constant 1 : i32
    %dma_start3A_17 = arith.constant 0 : i32
    %dma_start3A_18 = arith.constant 128 : i32
    %dma_start3A_19 = arith.constant 0 : i32
    %dma_start3A_20 = tpu.memref_slice %arg6[%dma_start3A_17, %dma_start3A_18, %dma_start3A_19] : memref<2x256x128xf32, #tpu.memory_space<vmem>> -> memref<1x128x128xf32, #tpu.memory_space<vmem>>
    %dma_start3A_21 = tpu.memref_squeeze %dma_start3A_20 : memref<1x128x128xf32, #tpu.memory_space<vmem>> -> memref<128x128xf32, #tpu.memory_space<vmem>>
    %dma_start3A_22 = arith.constant 0 : i32
    %dma_start3A_23 = tpu.memref_slice %arg5[%dma_start3A_16, %dma_start3A_22] : memref<200x128xi32, #tpu.memory_space<vmem>> -> memref<1x128xi32, #tpu.memory_space<vmem>>
    %dma_start3A_24 = tpu.memref_squeeze %dma_start3A_23 : memref<1x128xi32, #tpu.memory_space<vmem>> -> memref<128xi32, #tpu.memory_space<vmem>>
    %dma_start3A_25 = arith.constant 0 : i32
    %dma_start3A_26 = arith.constant 0 : i32
    %dma_start3A_27 = tpu.memref_slice %arg3[%dma_start3A_25, %dma_start3A_26] : memref<1000000x128xf32, #tpu.memory_space<hbm>> -> memref<1000000x128xf32, #tpu.memory_space<hbm>>
    tpu.enqueue_indirect_dma source(%dma_start3A_27 : memref<1000000x128xf32, #tpu.memory_space<hbm>>) target(%dma_start3A_21 : memref<128x128xf32, #tpu.memory_space<vmem>>) offsets(%dma_start3A_24 : memref<128xi32, #tpu.memory_space<vmem>>) semaphore(%arg7 : memref<!tpu.dma_semaphore, #tpu.memory_space<semaphore_mem>>)
    %dma_start3A_28 = arith.constant 2 : i32
    %dma_start3A_29 = arith.constant 1 : i32
    %dma_start3A_30 = arith.constant 0 : i32
    %dma_start3A_31 = arith.constant 0 : i32
    %dma_start3A_32 = tpu.memref_slice %arg6[%dma_start3A_29, %dma_start3A_30, %dma_start3A_31] : memref<2x256x128xf32, #tpu.memory_space<vmem>> -> memref<1x128x128xf32, #tpu.memory_space<vmem>>
    %dma_start3A_33 = tpu.memref_squeeze %dma_start3A_32 : memref<1x128x128xf32, #tpu.memory_space<vmem>> -> memref<128x128xf32, #tpu.memory_space<vmem>>
    %dma_start3A_34 = arith.constant 0 : i32
    %dma_start3A_35 = tpu.memref_slice %arg5[%dma_start3A_28, %dma_start3A_34] : memref<200x128xi32, #tpu.memory_space<vmem>> -> memref<1x128xi32, #tpu.memory_space<vmem>>
    %dma_start3A_36 = tpu.memref_squeeze %dma_start3A_35 : memref<1x128xi32, #tpu.memory_space<vmem>> -> memref<128xi32, #tpu.memory_space<vmem>>
    %dma_start3A_37 = arith.constant 0 : i32
    %dma_start3A_38 = arith.constant 0 : i32
    %dma_start3A_39 = tpu.memref_slice %arg3[%dma_start3A_37, %dma_start3A_38] : memref<1000000x128xf32, #tpu.memory_space<hbm>> -> memref<1000000x128xf32, #tpu.memory_space<hbm>>
    tpu.enqueue_indirect_dma source(%dma_start3A_39 : memref<1000000x128xf32, #tpu.memory_space<hbm>>) target(%dma_start3A_33 : memref<128x128xf32, #tpu.memory_space<vmem>>) offsets(%dma_start3A_36 : memref<128xi32, #tpu.memory_space<vmem>>) semaphore(%arg8 : memref<!tpu.dma_semaphore, #tpu.memory_space<semaphore_mem>>)
    %dma_start3A_40 = arith.constant 3 : i32
    %dma_start3A_41 = arith.constant 1 : i32
    %dma_start3A_42 = arith.constant 128 : i32
    %dma_start3A_43 = arith.constant 0 : i32
    %dma_start3A_44 = tpu.memref_slice %arg6[%dma_start3A_41, %dma_start3A_42, %dma_start3A_43] : memref<2x256x128xf32, #tpu.memory_space<vmem>> -> memref<1x128x128xf32, #tpu.memory_space<vmem>>
    %dma_start3A_45 = tpu.memref_squeeze %dma_start3A_44 : memref<1x128x128xf32, #tpu.memory_space<vmem>> -> memref<128x128xf32, #tpu.memory_space<vmem>>
    %dma_start3A_46 = arith.constant 0 : i32
    %dma_start3A_47 = tpu.memref_slice %arg5[%dma_start3A_40, %dma_start3A_46] : memref<200x128xi32, #tpu.memory_space<vmem>> -> memref<1x128xi32, #tpu.memory_space<vmem>>
    %dma_start3A_48 = tpu.memref_squeeze %dma_start3A_47 : memref<1x128xi32, #tpu.memory_space<vmem>> -> memref<128xi32, #tpu.memory_space<vmem>>
    %dma_start3A_49 = arith.constant 0 : i32
    %dma_start3A_50 = arith.constant 0 : i32
    %dma_start3A_51 = tpu.memref_slice %arg3[%dma_start3A_49, %dma_start3A_50] : memref<1000000x128xf32, #tpu.memory_space<hbm>> -> memref<1000000x128xf32, #tpu.memory_space<hbm>>
    tpu.enqueue_indirect_dma source(%dma_start3A_51 : memref<1000000x128xf32, #tpu.memory_space<hbm>>) target(%dma_start3A_45 : memref<128x128xf32, #tpu.memory_space<vmem>>) offsets(%dma_start3A_48 : memref<128xi32, #tpu.memory_space<vmem>>) semaphore(%arg8 : memref<!tpu.dma_semaphore, #tpu.memory_space<semaphore_mem>>)
    %dma_wait3A = arith.constant 0 : i32
    %dma_wait3A_52 = arith.constant 0 : i32
    %dma_wait3A_53 = arith.constant 0 : i32
    %dma_wait3A_54 = tpu.memref_slice %arg6[%dma_wait3A, %dma_wait3A_52, %dma_wait3A_53] : memref<2x256x128xf32, #tpu.memory_space<vmem>> -> memref<1x128x128xf32, #tpu.memory_space<vmem>>
    %dma_wait3A_55 = tpu.memref_squeeze %dma_wait3A_54 : memref<1x128x128xf32, #tpu.memory_space<vmem>> -> memref<128x128xf32, #tpu.memory_space<vmem>>
    %dma_wait3A_56 = arith.constant 0 : i32
    %dma_wait3A_57 = arith.constant 0 : i32
    %dma_wait3A_58 = tpu.memref_slice %arg3[%dma_wait3A_56, %dma_wait3A_57] : memref<1000000x128xf32, #tpu.memory_space<hbm>> -> memref<128x128xf32, #tpu.memory_space<hbm>>
    %dma_wait3A_59 = arith.constant 0 : i32
    %dma_wait3A_60 = arith.constant 0 : i32
    %dma_wait3A_61 = tpu.memref_slice %arg6[%dma_wait3A, %dma_wait3A_59, %dma_wait3A_60] : memref<2x256x128xf32, #tpu.memory_space<vmem>> -> memref<1x128x128xf32, #tpu.memory_space<vmem>>
    %dma_wait3A_62 = tpu.memref_squeeze %dma_wait3A_61 : memref<1x128x128xf32, #tpu.memory_space<vmem>> -> memref<128x128xf32, #tpu.memory_space<vmem>>
    %dma_wait3A_63 = arith.constant 0 : i32
    %dma_wait3A_64 = arith.constant 0 : i32
    %dma_wait3A_65 = tpu.memref_slice %arg3[%dma_wait3A_63, %dma_wait3A_64] : memref<1000000x128xf32, #tpu.memory_space<hbm>> -> memref<128x128xf32, #tpu.memory_space<hbm>>
    tpu.wait_dma2 semaphore(%arg7 : memref<!tpu.dma_semaphore, #tpu.memory_space<semaphore_mem>>) src(%dma_wait3A_65 : memref<128x128xf32, #tpu.memory_space<hbm>>) dst(%dma_wait3A_62 : memref<128x128xf32, #tpu.memory_space<vmem>>)
    %dma_wait3A_66 = arith.constant 0 : i32
    %dma_wait3A_67 = arith.constant 128 : i32
    %dma_wait3A_68 = arith.constant 0 : i32
    %dma_wait3A_69 = tpu.memref_slice %arg6[%dma_wait3A_66, %dma_wait3A_67, %dma_wait3A_68] : memref<2x256x128xf32, #tpu.memory_space<vmem>> -> memref<1x128x128xf32, #tpu.memory_space<vmem>>
    %dma_wait3A_70 = tpu.memref_squeeze %dma_wait3A_69 : memref<1x128x128xf32, #tpu.memory_space<vmem>> -> memref<128x128xf32, #tpu.memory_space<vmem>>
    %dma_wait3A_71 = arith.constant 0 : i32
    %dma_wait3A_72 = arith.constant 0 : i32
    %dma_wait3A_73 = tpu.memref_slice %arg3[%dma_wait3A_71, %dma_wait3A_72] : memref<1000000x128xf32, #tpu.memory_space<hbm>> -> memref<128x128xf32, #tpu.memory_space<hbm>>
    %dma_wait3A_74 = arith.constant 128 : i32
    %dma_wait3A_75 = arith.constant 0 : i32
    %dma_wait3A_76 = tpu.memref_slice %arg6[%dma_wait3A_66, %dma_wait3A_74, %dma_wait3A_75] : memref<2x256x128xf32, #tpu.memory_space<vmem>> -> memref<1x128x128xf32, #tpu.memory_space<vmem>>
    %dma_wait3A_77 = tpu.memref_squeeze %dma_wait3A_76 : memref<1x128x128xf32, #tpu.memory_space<vmem>> -> memref<128x128xf32, #tpu.memory_space<vmem>>
    %dma_wait3A_78 = arith.constant 0 : i32
    %dma_wait3A_79 = arith.constant 0 : i32
    %dma_wait3A_80 = tpu.memref_slice %arg3[%dma_wait3A_78, %dma_wait3A_79] : memref<1000000x128xf32, #tpu.memory_space<hbm>> -> memref<128x128xf32, #tpu.memory_space<hbm>>
    tpu.wait_dma2 semaphore(%arg7 : memref<!tpu.dma_semaphore, #tpu.memory_space<semaphore_mem>>) src(%dma_wait3A_80 : memref<128x128xf32, #tpu.memory_space<hbm>>) dst(%dma_wait3A_77 : memref<128x128xf32, #tpu.memory_space<vmem>>)
    %add3A_81 = arith.constant 0 : i32
    %add3A_82 = arith.addi %mul3A_2, %add3A_81 : i32
    %dma_start3A_83 = arith.constant 0 : i32
    %dma_start3A_84 = arith.constant 0 : i32
    %dma_start3A_85 = arith.constant 0 : i32
    %dma_start3A_86 = tpu.memref_slice %arg6[%dma_start3A_83, %dma_start3A_84, %dma_start3A_85] : memref<2x256x128xf32, #tpu.memory_space<vmem>> -> memref<1x256x128xf32, #tpu.memory_space<vmem>>
    %dma_start3A_87 = tpu.memref_squeeze %dma_start3A_86 : memref<1x256x128xf32, #tpu.memory_space<vmem>> -> memref<256x128xf32, #tpu.memory_space<vmem>>
    %dma_start3A_88 = arith.constant 0 : i32
    %dma_start3A_89 = tpu.memref_slice %arg4[%add3A_82, %dma_start3A_88] : memref<819200x128xf32, #tpu.memory_space<hbm>> -> memref<256x128xf32, #tpu.memory_space<hbm>>
    %dma_start3A_90 = arith.constant 0 : i32
    %dma_start3A_91 = tpu.memref_slice %arg4[%add3A_82, %dma_start3A_90] : memref<819200x128xf32, #tpu.memory_space<hbm>> -> memref<256x128xf32, #tpu.memory_space<hbm>>
    %dma_start3A_92 = arith.constant 0 : i32
    %dma_start3A_93 = arith.constant 0 : i32
    %dma_start3A_94 = tpu.memref_slice %arg6[%dma_start3A_83, %dma_start3A_92, %dma_start3A_93] : memref<2x256x128xf32, #tpu.memory_space<vmem>> -> memref<1x256x128xf32, #tpu.memory_space<vmem>>
    %dma_start3A_95 = tpu.memref_squeeze %dma_start3A_94 : memref<1x256x128xf32, #tpu.memory_space<vmem>> -> memref<256x128xf32, #tpu.memory_space<vmem>>
    tpu.enqueue_dma source(%dma_start3A_95 : memref<256x128xf32, #tpu.memory_space<vmem>>) target(%dma_start3A_91 : memref<256x128xf32, #tpu.memory_space<hbm>>) target_semaphore(%arg9 : memref<!tpu.dma_semaphore, #tpu.memory_space<semaphore_mem>>)
    %dma_wait3A_96 = arith.constant 0 : i32
    %dma_wait3A_97 = arith.constant 0 : i32
    %dma_wait3A_98 = arith.constant 0 : i32
    %dma_wait3A_99 = tpu.memref_slice %arg6[%dma_wait3A_96, %dma_wait3A_97, %dma_wait3A_98] : memref<2x256x128xf32, #tpu.memory_space<vmem>> -> memref<1x256x128xf32, #tpu.memory_space<vmem>>
    %dma_wait3A_100 = tpu.memref_squeeze %dma_wait3A_99 : memref<1x256x128xf32, #tpu.memory_space<vmem>> -> memref<256x128xf32, #tpu.memory_space<vmem>>
    %dma_wait3A_101 = arith.constant 0 : i32
    %dma_wait3A_102 = tpu.memref_slice %arg4[%mul3A_2, %dma_wait3A_101] : memref<819200x128xf32, #tpu.memory_space<hbm>> -> memref<256x128xf32, #tpu.memory_space<hbm>>
    %dma_wait3A_103 = arith.constant 0 : i32
    %dma_wait3A_104 = tpu.memref_slice %arg4[%mul3A_2, %dma_wait3A_103] : memref<819200x128xf32, #tpu.memory_space<hbm>> -> memref<256x128xf32, #tpu.memory_space<hbm>>
    %dma_wait3A_105 = arith.constant 0 : i32
    %dma_wait3A_106 = arith.constant 0 : i32
    %dma_wait3A_107 = tpu.memref_slice %arg6[%dma_wait3A_96, %dma_wait3A_105, %dma_wait3A_106] : memref<2x256x128xf32, #tpu.memory_space<vmem>> -> memref<1x256x128xf32, #tpu.memory_space<vmem>>
    %dma_wait3A_108 = tpu.memref_squeeze %dma_wait3A_107 : memref<1x256x128xf32, #tpu.memory_space<vmem>> -> memref<256x128xf32, #tpu.memory_space<vmem>>
    tpu.wait_dma2 semaphore(%arg9 : memref<!tpu.dma_semaphore, #tpu.memory_space<semaphore_mem>>) src(%dma_wait3A_108 : memref<256x128xf32, #tpu.memory_space<vmem>>) dst(%dma_wait3A_104 : memref<256x128xf32, #tpu.memory_space<hbm>>)
    %dma_start3A_109 = arith.constant 4 : i32
    %dma_start3A_110 = arith.constant 0 : i32
    %dma_start3A_111 = arith.constant 0 : i32
    %dma_start3A_112 = arith.constant 0 : i32
    %dma_start3A_113 = tpu.memref_slice %arg6[%dma_start3A_110, %dma_start3A_111, %dma_start3A_112] : memref<2x256x128xf32, #tpu.memory_space<vmem>> -> memref<1x128x128xf32, #tpu.memory_space<vmem>>
    %dma_start3A_114 = tpu.memref_squeeze %dma_start3A_113 : memref<1x128x128xf32, #tpu.memory_space<vmem>> -> memref<128x128xf32, #tpu.memory_space<vmem>>
    %dma_start3A_115 = arith.constant 0 : i32
    %dma_start3A_116 = tpu.memref_slice %arg5[%dma_start3A_109, %dma_start3A_115] : memref<200x128xi32, #tpu.memory_space<vmem>> -> memref<1x128xi32, #tpu.memory_space<vmem>>
    %dma_start3A_117 = tpu.memref_squeeze %dma_start3A_116 : memref<1x128xi32, #tpu.memory_space<vmem>> -> memref<128xi32, #tpu.memory_space<vmem>>
    %dma_start3A_118 = arith.constant 0 : i32
    %dma_start3A_119 = arith.constant 0 : i32
    %dma_start3A_120 = tpu.memref_slice %arg3[%dma_start3A_118, %dma_start3A_119] : memref<1000000x128xf32, #tpu.memory_space<hbm>> -> memref<1000000x128xf32, #tpu.memory_space<hbm>>
    tpu.enqueue_indirect_dma source(%dma_start3A_120 : memref<1000000x128xf32, #tpu.memory_space<hbm>>) target(%dma_start3A_114 : memref<128x128xf32, #tpu.memory_space<vmem>>) offsets(%dma_start3A_117 : memref<128xi32, #tpu.memory_space<vmem>>) semaphore(%arg7 : memref<!tpu.dma_semaphore, #tpu.memory_space<semaphore_mem>>)
    %dma_start3A_121 = arith.constant 5 : i32
    %dma_start3A_122 = arith.constant 0 : i32
    %dma_start3A_123 = arith.constant 128 : i32
    %dma_start3A_124 = arith.constant 0 : i32
    %dma_start3A_125 = tpu.memref_slice %arg6[%dma_start3A_122, %dma_start3A_123, %dma_start3A_124] : memref<2x256x128xf32, #tpu.memory_space<vmem>> -> memref<1x128x128xf32, #tpu.memory_space<vmem>>
    %dma_start3A_126 = tpu.memref_squeeze %dma_start3A_125 : memref<1x128x128xf32, #tpu.memory_space<vmem>> -> memref<128x128xf32, #tpu.memory_space<vmem>>
    %dma_start3A_127 = arith.constant 0 : i32
    %dma_start3A_128 = tpu.memref_slice %arg5[%dma_start3A_121, %dma_start3A_127] : memref<200x128xi32, #tpu.memory_space<vmem>> -> memref<1x128xi32, #tpu.memory_space<vmem>>
    %dma_start3A_129 = tpu.memref_squeeze %dma_start3A_128 : memref<1x128xi32, #tpu.memory_space<vmem>> -> memref<128xi32, #tpu.memory_space<vmem>>
    %dma_start3A_130 = arith.constant 0 : i32
    %dma_start3A_131 = arith.constant 0 : i32
    %dma_start3A_132 = tpu.memref_slice %arg3[%dma_start3A_130, %dma_start3A_131] : memref<1000000x128xf32, #tpu.memory_space<hbm>> -> memref<1000000x128xf32, #tpu.memory_space<hbm>>
    tpu.enqueue_indirect_dma source(%dma_start3A_132 : memref<1000000x128xf32, #tpu.memory_space<hbm>>) target(%dma_start3A_126 : memref<128x128xf32, #tpu.memory_space<vmem>>) offsets(%dma_start3A_129 : memref<128xi32, #tpu.memory_space<vmem>>) semaphore(%arg7 : memref<!tpu.dma_semaphore, #tpu.memory_space<semaphore_mem>>)
    %dma_wait3A_133 = arith.constant 1 : i32
    %dma_wait3A_134 = arith.constant 0 : i32
    %dma_wait3A_135 = arith.constant 0 : i32
    %dma_wait3A_136 = tpu.memref_slice %arg6[%dma_wait3A_133, %dma_wait3A_134, %dma_wait3A_135] : memref<2x256x128xf32, #tpu.memory_space<vmem>> -> memref<1x128x128xf32, #tpu.memory_space<vmem>>
    %dma_wait3A_137 = tpu.memref_squeeze %dma_wait3A_136 : memref<1x128x128xf32, #tpu.memory_space<vmem>> -> memref<128x128xf32, #tpu.memory_space<vmem>>
    %dma_wait3A_138 = arith.constant 0 : i32
    %dma_wait3A_139 = arith.constant 0 : i32
    %dma_wait3A_140 = tpu.memref_slice %arg3[%dma_wait3A_138, %dma_wait3A_139] : memref<1000000x128xf32, #tpu.memory_space<hbm>> -> memref<128x128xf32, #tpu.memory_space<hbm>>
    %dma_wait3A_141 = arith.constant 0 : i32
    %dma_wait3A_142 = arith.constant 0 : i32
    %dma_wait3A_143 = tpu.memref_slice %arg6[%dma_wait3A_133, %dma_wait3A_141, %dma_wait3A_142] : memref<2x256x128xf32, #tpu.memory_space<vmem>> -> memref<1x128x128xf32, #tpu.memory_space<vmem>>
    %dma_wait3A_144 = tpu.memref_squeeze %dma_wait3A_143 : memref<1x128x128xf32, #tpu.memory_space<vmem>> -> memref<128x128xf32, #tpu.memory_space<vmem>>
    %dma_wait3A_145 = arith.constant 0 : i32
    %dma_wait3A_146 = arith.constant 0 : i32
    %dma_wait3A_147 = tpu.memref_slice %arg3[%dma_wait3A_145, %dma_wait3A_146] : memref<1000000x128xf32, #tpu.memory_space<hbm>> -> memref<128x128xf32, #tpu.memory_space<hbm>>
    tpu.wait_dma2 semaphore(%arg8 : memref<!tpu.dma_semaphore, #tpu.memory_space<semaphore_mem>>) src(%dma_wait3A_147 : memref<128x128xf32, #tpu.memory_space<hbm>>) dst(%dma_wait3A_144 : memref<128x128xf32, #tpu.memory_space<vmem>>)
    %dma_wait3A_148 = arith.constant 1 : i32
    %dma_wait3A_149 = arith.constant 128 : i32
    %dma_wait3A_150 = arith.constant 0 : i32
    %dma_wait3A_151 = tpu.memref_slice %arg6[%dma_wait3A_148, %dma_wait3A_149, %dma_wait3A_150] : memref<2x256x128xf32, #tpu.memory_space<vmem>> -> memref<1x128x128xf32, #tpu.memory_space<vmem>>
    %dma_wait3A_152 = tpu.memref_squeeze %dma_wait3A_151 : memref<1x128x128xf32, #tpu.memory_space<vmem>> -> memref<128x128xf32, #tpu.memory_space<vmem>>
    %dma_wait3A_153 = arith.constant 0 : i32
    %dma_wait3A_154 = arith.constant 0 : i32
    %dma_wait3A_155 = tpu.memref_slice %arg3[%dma_wait3A_153, %dma_wait3A_154] : memref<1000000x128xf32, #tpu.memory_space<hbm>> -> memref<128x128xf32, #tpu.memory_space<hbm>>
    %dma_wait3A_156 = arith.constant 128 : i32
    %dma_wait3A_157 = arith.constant 0 : i32
    %dma_wait3A_158 = tpu.memref_slice %arg6[%dma_wait3A_148, %dma_wait3A_156, %dma_wait3A_157] : memref<2x256x128xf32, #tpu.memory_space<vmem>> -> memref<1x128x128xf32, #tpu.memory_space<vmem>>
    %dma_wait3A_159 = tpu.memref_squeeze %dma_wait3A_158 : memref<1x128x128xf32, #tpu.memory_space<vmem>> -> memref<128x128xf32, #tpu.memory_space<vmem>>
    %dma_wait3A_160 = arith.constant 0 : i32
    %dma_wait3A_161 = arith.constant 0 : i32
    %dma_wait3A_162 = tpu.memref_slice %arg3[%dma_wait3A_160, %dma_wait3A_161] : memref<1000000x128xf32, #tpu.memory_space<hbm>> -> memref<128x128xf32, #tpu.memory_space<hbm>>
    tpu.wait_dma2 semaphore(%arg8 : memref<!tpu.dma_semaphore, #tpu.memory_space<semaphore_mem>>) src(%dma_wait3A_162 : memref<128x128xf32, #tpu.memory_space<hbm>>) dst(%dma_wait3A_159 : memref<128x128xf32, #tpu.memory_space<vmem>>)
    %add3A_163 = arith.constant 256 : i32
    %add3A_164 = arith.addi %mul3A_2, %add3A_163 : i32
    %dma_start3A_165 = arith.constant 1 : i32
    %dma_start3A_166 = arith.constant 0 : i32
    %dma_start3A_167 = arith.constant 0 : i32
    %dma_start3A_168 = tpu.memref_slice %arg6[%dma_start3A_165, %dma_start3A_166, %dma_start3A_167] : memref<2x256x128xf32, #tpu.memory_space<vmem>> -> memref<1x256x128xf32, #tpu.memory_space<vmem>>
    %dma_start3A_169 = tpu.memref_squeeze %dma_start3A_168 : memref<1x256x128xf32, #tpu.memory_space<vmem>> -> memref<256x128xf32, #tpu.memory_space<vmem>>
    %dma_start3A_170 = arith.constant 0 : i32
    %dma_start3A_171 = tpu.memref_slice %arg4[%add3A_164, %dma_start3A_170] : memref<819200x128xf32, #tpu.memory_space<hbm>> -> memref<256x128xf32, #tpu.memory_space<hbm>>
    %dma_start3A_172 = arith.constant 0 : i32
    %dma_start3A_173 = tpu.memref_slice %arg4[%add3A_164, %dma_start3A_172] : memref<819200x128xf32, #tpu.memory_space<hbm>> -> memref<256x128xf32, #tpu.memory_space<hbm>>
    %dma_start3A_174 = arith.constant 0 : i32
    %dma_start3A_175 = arith.constant 0 : i32
    %dma_start3A_176 = tpu.memref_slice %arg6[%dma_start3A_165, %dma_start3A_174, %dma_start3A_175] : memref<2x256x128xf32, #tpu.memory_space<vmem>> -> memref<1x256x128xf32, #tpu.memory_space<vmem>>
    %dma_start3A_177 = tpu.memref_squeeze %dma_start3A_176 : memref<1x256x128xf32, #tpu.memory_space<vmem>> -> memref<256x128xf32, #tpu.memory_space<vmem>>
    tpu.enqueue_dma source(%dma_start3A_177 : memref<256x128xf32, #tpu.memory_space<vmem>>) target(%dma_start3A_173 : memref<256x128xf32, #tpu.memory_space<hbm>>) target_semaphore(%arg10 : memref<!tpu.dma_semaphore, #tpu.memory_space<semaphore_mem>>)
    %scan3A = arith.constant 0 : i32
    %scan3A_178 = arith.constant 1 : i32
    %scan3A_179 = arith.constant 48 : i32
    %scan3A_180 = arith.addi %scan3A_178, %scan3A_179 : i32
    %scan3A_181 = arith.constant 1 : i32
    scf.for %scan3A_336 = %scan3A_178 to %scan3A_180 step %scan3A_181  : i32 {
      %mul3A_337 = arith.constant 2 : i32
      %mul3A_338 = arith.muli %mul3A_337, %scan3A_336 : i32
      %dma_wait3A_339 = arith.constant 1 : i32
      %dma_wait3A_340 = arith.constant 0 : i32
      %dma_wait3A_341 = arith.constant 0 : i32
      %dma_wait3A_342 = tpu.memref_slice %arg6[%dma_wait3A_339, %dma_wait3A_340, %dma_wait3A_341] : memref<2x256x128xf32, #tpu.memory_space<vmem>> -> memref<1x256x128xf32, #tpu.memory_space<vmem>>
      %dma_wait3A_343 = tpu.memref_squeeze %dma_wait3A_342 : memref<1x256x128xf32, #tpu.memory_space<vmem>> -> memref<256x128xf32, #tpu.memory_space<vmem>>
      %dma_wait3A_344 = arith.constant 0 : i32
      %dma_wait3A_345 = tpu.memref_slice %arg4[%mul3A_2, %dma_wait3A_344] : memref<819200x128xf32, #tpu.memory_space<hbm>> -> memref<256x128xf32, #tpu.memory_space<hbm>>
      %dma_wait3A_346 = arith.constant 0 : i32
      %dma_wait3A_347 = tpu.memref_slice %arg4[%mul3A_2, %dma_wait3A_346] : memref<819200x128xf32, #tpu.memory_space<hbm>> -> memref<256x128xf32, #tpu.memory_space<hbm>>
      %dma_wait3A_348 = arith.constant 0 : i32
      %dma_wait3A_349 = arith.constant 0 : i32
      %dma_wait3A_350 = tpu.memref_slice %arg6[%dma_wait3A_339, %dma_wait3A_348, %dma_wait3A_349] : memref<2x256x128xf32, #tpu.memory_space<vmem>> -> memref<1x256x128xf32, #tpu.memory_space<vmem>>
      %dma_wait3A_351 = tpu.memref_squeeze %dma_wait3A_350 : memref<1x256x128xf32, #tpu.memory_space<vmem>> -> memref<256x128xf32, #tpu.memory_space<vmem>>
      tpu.wait_dma2 semaphore(%arg10 : memref<!tpu.dma_semaphore, #tpu.memory_space<semaphore_mem>>) src(%dma_wait3A_351 : memref<256x128xf32, #tpu.memory_space<vmem>>) dst(%dma_wait3A_347 : memref<256x128xf32, #tpu.memory_space<hbm>>)
      %add3A_352 = arith.constant 1 : i32
      %add3A_353 = arith.addi %mul3A_338, %add3A_352 : i32
      %mul3A_354 = arith.constant 2 : i32
      %mul3A_355 = arith.muli %mul3A_354, %add3A_353 : i32
      %add3A_356 = arith.constant 0 : i32
      %add3A_357 = arith.addi %mul3A_355, %add3A_356 : i32
      %dma_start3A_358 = arith.constant 1 : i32
      %dma_start3A_359 = arith.constant 0 : i32
      %dma_start3A_360 = arith.constant 0 : i32
      %dma_start3A_361 = tpu.memref_slice %arg6[%dma_start3A_358, %dma_start3A_359, %dma_start3A_360] : memref<2x256x128xf32, #tpu.memory_space<vmem>> -> memref<1x128x128xf32, #tpu.memory_space<vmem>>
      %dma_start3A_362 = tpu.memref_squeeze %dma_start3A_361 : memref<1x128x128xf32, #tpu.memory_space<vmem>> -> memref<128x128xf32, #tpu.memory_space<vmem>>
      %dma_start3A_363 = arith.constant 0 : i32
      %dma_start3A_364 = tpu.memref_slice %arg5[%add3A_357, %dma_start3A_363] : memref<200x128xi32, #tpu.memory_space<vmem>> -> memref<1x128xi32, #tpu.memory_space<vmem>>
      %dma_start3A_365 = tpu.memref_squeeze %dma_start3A_364 : memref<1x128xi32, #tpu.memory_space<vmem>> -> memref<128xi32, #tpu.memory_space<vmem>>
      %dma_start3A_366 = arith.constant 0 : i32
      %dma_start3A_367 = arith.constant 0 : i32
      %dma_start3A_368 = tpu.memref_slice %arg3[%dma_start3A_366, %dma_start3A_367] : memref<1000000x128xf32, #tpu.memory_space<hbm>> -> memref<1000000x128xf32, #tpu.memory_space<hbm>>
      tpu.enqueue_indirect_dma source(%dma_start3A_368 : memref<1000000x128xf32, #tpu.memory_space<hbm>>) target(%dma_start3A_362 : memref<128x128xf32, #tpu.memory_space<vmem>>) offsets(%dma_start3A_365 : memref<128xi32, #tpu.memory_space<vmem>>) semaphore(%arg8 : memref<!tpu.dma_semaphore, #tpu.memory_space<semaphore_mem>>)
      %mul3A_369 = arith.constant 2 : i32
      %mul3A_370 = arith.muli %mul3A_369, %add3A_353 : i32
      %add3A_371 = arith.constant 1 : i32
      %add3A_372 = arith.addi %mul3A_370, %add3A_371 : i32
      %dma_start3A_373 = arith.constant 1 : i32
      %dma_start3A_374 = arith.constant 128 : i32
      %dma_start3A_375 = arith.constant 0 : i32
      %dma_start3A_376 = tpu.memref_slice %arg6[%dma_start3A_373, %dma_start3A_374, %dma_start3A_375] : memref<2x256x128xf32, #tpu.memory_space<vmem>> -> memref<1x128x128xf32, #tpu.memory_space<vmem>>
      %dma_start3A_377 = tpu.memref_squeeze %dma_start3A_376 : memref<1x128x128xf32, #tpu.memory_space<vmem>> -> memref<128x128xf32, #tpu.memory_space<vmem>>
      %dma_start3A_378 = arith.constant 0 : i32
      %dma_start3A_379 = tpu.memref_slice %arg5[%add3A_372, %dma_start3A_378] : memref<200x128xi32, #tpu.memory_space<vmem>> -> memref<1x128xi32, #tpu.memory_space<vmem>>
      %dma_start3A_380 = tpu.memref_squeeze %dma_start3A_379 : memref<1x128xi32, #tpu.memory_space<vmem>> -> memref<128xi32, #tpu.memory_space<vmem>>
      %dma_start3A_381 = arith.constant 0 : i32
      %dma_start3A_382 = arith.constant 0 : i32
      %dma_start3A_383 = tpu.memref_slice %arg3[%dma_start3A_381, %dma_start3A_382] : memref<1000000x128xf32, #tpu.memory_space<hbm>> -> memref<1000000x128xf32, #tpu.memory_space<hbm>>
      tpu.enqueue_indirect_dma source(%dma_start3A_383 : memref<1000000x128xf32, #tpu.memory_space<hbm>>) target(%dma_start3A_377 : memref<128x128xf32, #tpu.memory_space<vmem>>) offsets(%dma_start3A_380 : memref<128xi32, #tpu.memory_space<vmem>>) semaphore(%arg8 : memref<!tpu.dma_semaphore, #tpu.memory_space<semaphore_mem>>)
      %dma_wait3A_384 = arith.constant 0 : i32
      %dma_wait3A_385 = arith.constant 0 : i32
      %dma_wait3A_386 = arith.constant 0 : i32
      %dma_wait3A_387 = tpu.memref_slice %arg6[%dma_wait3A_384, %dma_wait3A_385, %dma_wait3A_386] : memref<2x256x128xf32, #tpu.memory_space<vmem>> -> memref<1x128x128xf32, #tpu.memory_space<vmem>>
      %dma_wait3A_388 = tpu.memref_squeeze %dma_wait3A_387 : memref<1x128x128xf32, #tpu.memory_space<vmem>> -> memref<128x128xf32, #tpu.memory_space<vmem>>
      %dma_wait3A_389 = arith.constant 0 : i32
      %dma_wait3A_390 = arith.constant 0 : i32
      %dma_wait3A_391 = tpu.memref_slice %arg3[%dma_wait3A_389, %dma_wait3A_390] : memref<1000000x128xf32, #tpu.memory_space<hbm>> -> memref<128x128xf32, #tpu.memory_space<hbm>>
      %dma_wait3A_392 = arith.constant 0 : i32
      %dma_wait3A_393 = arith.constant 0 : i32
      %dma_wait3A_394 = tpu.memref_slice %arg6[%dma_wait3A_384, %dma_wait3A_392, %dma_wait3A_393] : memref<2x256x128xf32, #tpu.memory_space<vmem>> -> memref<1x128x128xf32, #tpu.memory_space<vmem>>
      %dma_wait3A_395 = tpu.memref_squeeze %dma_wait3A_394 : memref<1x128x128xf32, #tpu.memory_space<vmem>> -> memref<128x128xf32, #tpu.memory_space<vmem>>
      %dma_wait3A_396 = arith.constant 0 : i32
      %dma_wait3A_397 = arith.constant 0 : i32
      %dma_wait3A_398 = tpu.memref_slice %arg3[%dma_wait3A_396, %dma_wait3A_397] : memref<1000000x128xf32, #tpu.memory_space<hbm>> -> memref<128x128xf32, #tpu.memory_space<hbm>>
      tpu.wait_dma2 semaphore(%arg7 : memref<!tpu.dma_semaphore, #tpu.memory_space<semaphore_mem>>) src(%dma_wait3A_398 : memref<128x128xf32, #tpu.memory_space<hbm>>) dst(%dma_wait3A_395 : memref<128x128xf32, #tpu.memory_space<vmem>>)
      %dma_wait3A_399 = arith.constant 0 : i32
      %dma_wait3A_400 = arith.constant 128 : i32
      %dma_wait3A_401 = arith.constant 0 : i32
      %dma_wait3A_402 = tpu.memref_slice %arg6[%dma_wait3A_399, %dma_wait3A_400, %dma_wait3A_401] : memref<2x256x128xf32, #tpu.memory_space<vmem>> -> memref<1x128x128xf32, #tpu.memory_space<vmem>>
      %dma_wait3A_403 = tpu.memref_squeeze %dma_wait3A_402 : memref<1x128x128xf32, #tpu.memory_space<vmem>> -> memref<128x128xf32, #tpu.memory_space<vmem>>
      %dma_wait3A_404 = arith.constant 0 : i32
      %dma_wait3A_405 = arith.constant 0 : i32
      %dma_wait3A_406 = tpu.memref_slice %arg3[%dma_wait3A_404, %dma_wait3A_405] : memref<1000000x128xf32, #tpu.memory_space<hbm>> -> memref<128x128xf32, #tpu.memory_space<hbm>>
      %dma_wait3A_407 = arith.constant 128 : i32
      %dma_wait3A_408 = arith.constant 0 : i32
      %dma_wait3A_409 = tpu.memref_slice %arg6[%dma_wait3A_399, %dma_wait3A_407, %dma_wait3A_408] : memref<2x256x128xf32, #tpu.memory_space<vmem>> -> memref<1x128x128xf32, #tpu.memory_space<vmem>>
      %dma_wait3A_410 = tpu.memref_squeeze %dma_wait3A_409 : memref<1x128x128xf32, #tpu.memory_space<vmem>> -> memref<128x128xf32, #tpu.memory_space<vmem>>
      %dma_wait3A_411 = arith.constant 0 : i32
      %dma_wait3A_412 = arith.constant 0 : i32
      %dma_wait3A_413 = tpu.memref_slice %arg3[%dma_wait3A_411, %dma_wait3A_412] : memref<1000000x128xf32, #tpu.memory_space<hbm>> -> memref<128x128xf32, #tpu.memory_space<hbm>>
      tpu.wait_dma2 semaphore(%arg7 : memref<!tpu.dma_semaphore, #tpu.memory_space<semaphore_mem>>) src(%dma_wait3A_413 : memref<128x128xf32, #tpu.memory_space<hbm>>) dst(%dma_wait3A_410 : memref<128x128xf32, #tpu.memory_space<vmem>>)
      %mul3A_414 = arith.constant 256 : i32
      %mul3A_415 = arith.muli %mul3A_338, %mul3A_414 : i32
      %add3A_416 = arith.addi %mul3A_2, %mul3A_415 : i32
      %dma_start3A_417 = arith.constant 0 : i32
      %dma_start3A_418 = arith.constant 0 : i32
      %dma_start3A_419 = arith.constant 0 : i32
      %dma_start3A_420 = tpu.memref_slice %arg6[%dma_start3A_417, %dma_start3A_418, %dma_start3A_419] : memref<2x256x128xf32, #tpu.memory_space<vmem>> -> memref<1x256x128xf32, #tpu.memory_space<vmem>>
      %dma_start3A_421 = tpu.memref_squeeze %dma_start3A_420 : memref<1x256x128xf32, #tpu.memory_space<vmem>> -> memref<256x128xf32, #tpu.memory_space<vmem>>
      %dma_start3A_422 = arith.constant 0 : i32
      %dma_start3A_423 = tpu.memref_slice %arg4[%add3A_416, %dma_start3A_422] : memref<819200x128xf32, #tpu.memory_space<hbm>> -> memref<256x128xf32, #tpu.memory_space<hbm>>
      %dma_start3A_424 = arith.constant 0 : i32
      %dma_start3A_425 = tpu.memref_slice %arg4[%add3A_416, %dma_start3A_424] : memref<819200x128xf32, #tpu.memory_space<hbm>> -> memref<256x128xf32, #tpu.memory_space<hbm>>
      %dma_start3A_426 = arith.constant 0 : i32
      %dma_start3A_427 = arith.constant 0 : i32
      %dma_start3A_428 = tpu.memref_slice %arg6[%dma_start3A_417, %dma_start3A_426, %dma_start3A_427] : memref<2x256x128xf32, #tpu.memory_space<vmem>> -> memref<1x256x128xf32, #tpu.memory_space<vmem>>
      %dma_start3A_429 = tpu.memref_squeeze %dma_start3A_428 : memref<1x256x128xf32, #tpu.memory_space<vmem>> -> memref<256x128xf32, #tpu.memory_space<vmem>>
      tpu.enqueue_dma source(%dma_start3A_429 : memref<256x128xf32, #tpu.memory_space<vmem>>) target(%dma_start3A_425 : memref<256x128xf32, #tpu.memory_space<hbm>>) target_semaphore(%arg9 : memref<!tpu.dma_semaphore, #tpu.memory_space<semaphore_mem>>)
      %dma_wait3A_430 = arith.constant 0 : i32
      %dma_wait3A_431 = arith.constant 0 : i32
      %dma_wait3A_432 = arith.constant 0 : i32
      %dma_wait3A_433 = tpu.memref_slice %arg6[%dma_wait3A_430, %dma_wait3A_431, %dma_wait3A_432] : memref<2x256x128xf32, #tpu.memory_space<vmem>> -> memref<1x256x128xf32, #tpu.memory_space<vmem>>
      %dma_wait3A_434 = tpu.memref_squeeze %dma_wait3A_433 : memref<1x256x128xf32, #tpu.memory_space<vmem>> -> memref<256x128xf32, #tpu.memory_space<vmem>>
      %dma_wait3A_435 = arith.constant 0 : i32
      %dma_wait3A_436 = tpu.memref_slice %arg4[%mul3A_2, %dma_wait3A_435] : memref<819200x128xf32, #tpu.memory_space<hbm>> -> memref<256x128xf32, #tpu.memory_space<hbm>>
      %dma_wait3A_437 = arith.constant 0 : i32
      %dma_wait3A_438 = tpu.memref_slice %arg4[%mul3A_2, %dma_wait3A_437] : memref<819200x128xf32, #tpu.memory_space<hbm>> -> memref<256x128xf32, #tpu.memory_space<hbm>>
      %dma_wait3A_439 = arith.constant 0 : i32
      %dma_wait3A_440 = arith.constant 0 : i32
      %dma_wait3A_441 = tpu.memref_slice %arg6[%dma_wait3A_430, %dma_wait3A_439, %dma_wait3A_440] : memref<2x256x128xf32, #tpu.memory_space<vmem>> -> memref<1x256x128xf32, #tpu.memory_space<vmem>>
      %dma_wait3A_442 = tpu.memref_squeeze %dma_wait3A_441 : memref<1x256x128xf32, #tpu.memory_space<vmem>> -> memref<256x128xf32, #tpu.memory_space<vmem>>
      tpu.wait_dma2 semaphore(%arg9 : memref<!tpu.dma_semaphore, #tpu.memory_space<semaphore_mem>>) src(%dma_wait3A_442 : memref<256x128xf32, #tpu.memory_space<vmem>>) dst(%dma_wait3A_438 : memref<256x128xf32, #tpu.memory_space<hbm>>)
      %add3A_443 = arith.constant 2 : i32
      %add3A_444 = arith.addi %mul3A_338, %add3A_443 : i32
      %mul3A_445 = arith.constant 2 : i32
      %mul3A_446 = arith.muli %mul3A_445, %add3A_444 : i32
      %add3A_447 = arith.constant 0 : i32
      %add3A_448 = arith.addi %mul3A_446, %add3A_447 : i32
      %dma_start3A_449 = arith.constant 0 : i32
      %dma_start3A_450 = arith.constant 0 : i32
      %dma_start3A_451 = arith.constant 0 : i32
      %dma_start3A_452 = tpu.memref_slice %arg6[%dma_start3A_449, %dma_start3A_450, %dma_start3A_451] : memref<2x256x128xf32, #tpu.memory_space<vmem>> -> memref<1x128x128xf32, #tpu.memory_space<vmem>>
      %dma_start3A_453 = tpu.memref_squeeze %dma_start3A_452 : memref<1x128x128xf32, #tpu.memory_space<vmem>> -> memref<128x128xf32, #tpu.memory_space<vmem>>
      %dma_start3A_454 = arith.constant 0 : i32
      %dma_start3A_455 = tpu.memref_slice %arg5[%add3A_448, %dma_start3A_454] : memref<200x128xi32, #tpu.memory_space<vmem>> -> memref<1x128xi32, #tpu.memory_space<vmem>>
      %dma_start3A_456 = tpu.memref_squeeze %dma_start3A_455 : memref<1x128xi32, #tpu.memory_space<vmem>> -> memref<128xi32, #tpu.memory_space<vmem>>
      %dma_start3A_457 = arith.constant 0 : i32
      %dma_start3A_458 = arith.constant 0 : i32
      %dma_start3A_459 = tpu.memref_slice %arg3[%dma_start3A_457, %dma_start3A_458] : memref<1000000x128xf32, #tpu.memory_space<hbm>> -> memref<1000000x128xf32, #tpu.memory_space<hbm>>
      tpu.enqueue_indirect_dma source(%dma_start3A_459 : memref<1000000x128xf32, #tpu.memory_space<hbm>>) target(%dma_start3A_453 : memref<128x128xf32, #tpu.memory_space<vmem>>) offsets(%dma_start3A_456 : memref<128xi32, #tpu.memory_space<vmem>>) semaphore(%arg7 : memref<!tpu.dma_semaphore, #tpu.memory_space<semaphore_mem>>)
      %mul3A_460 = arith.constant 2 : i32
      %mul3A_461 = arith.muli %mul3A_460, %add3A_444 : i32
      %add3A_462 = arith.constant 1 : i32
      %add3A_463 = arith.addi %mul3A_461, %add3A_462 : i32
      %dma_start3A_464 = arith.constant 0 : i32
      %dma_start3A_465 = arith.constant 128 : i32
      %dma_start3A_466 = arith.constant 0 : i32
      %dma_start3A_467 = tpu.memref_slice %arg6[%dma_start3A_464, %dma_start3A_465, %dma_start3A_466] : memref<2x256x128xf32, #tpu.memory_space<vmem>> -> memref<1x128x128xf32, #tpu.memory_space<vmem>>
      %dma_start3A_468 = tpu.memref_squeeze %dma_start3A_467 : memref<1x128x128xf32, #tpu.memory_space<vmem>> -> memref<128x128xf32, #tpu.memory_space<vmem>>
      %dma_start3A_469 = arith.constant 0 : i32
      %dma_start3A_470 = tpu.memref_slice %arg5[%add3A_463, %dma_start3A_469] : memref<200x128xi32, #tpu.memory_space<vmem>> -> memref<1x128xi32, #tpu.memory_space<vmem>>
      %dma_start3A_471 = tpu.memref_squeeze %dma_start3A_470 : memref<1x128xi32, #tpu.memory_space<vmem>> -> memref<128xi32, #tpu.memory_space<vmem>>
      %dma_start3A_472 = arith.constant 0 : i32
      %dma_start3A_473 = arith.constant 0 : i32
      %dma_start3A_474 = tpu.memref_slice %arg3[%dma_start3A_472, %dma_start3A_473] : memref<1000000x128xf32, #tpu.memory_space<hbm>> -> memref<1000000x128xf32, #tpu.memory_space<hbm>>
      tpu.enqueue_indirect_dma source(%dma_start3A_474 : memref<1000000x128xf32, #tpu.memory_space<hbm>>) target(%dma_start3A_468 : memref<128x128xf32, #tpu.memory_space<vmem>>) offsets(%dma_start3A_471 : memref<128xi32, #tpu.memory_space<vmem>>) semaphore(%arg7 : memref<!tpu.dma_semaphore, #tpu.memory_space<semaphore_mem>>)
      %dma_wait3A_475 = arith.constant 1 : i32
      %dma_wait3A_476 = arith.constant 0 : i32
      %dma_wait3A_477 = arith.constant 0 : i32
      %dma_wait3A_478 = tpu.memref_slice %arg6[%dma_wait3A_475, %dma_wait3A_476, %dma_wait3A_477] : memref<2x256x128xf32, #tpu.memory_space<vmem>> -> memref<1x128x128xf32, #tpu.memory_space<vmem>>
      %dma_wait3A_479 = tpu.memref_squeeze %dma_wait3A_478 : memref<1x128x128xf32, #tpu.memory_space<vmem>> -> memref<128x128xf32, #tpu.memory_space<vmem>>
      %dma_wait3A_480 = arith.constant 0 : i32
      %dma_wait3A_481 = arith.constant 0 : i32
      %dma_wait3A_482 = tpu.memref_slice %arg3[%dma_wait3A_480, %dma_wait3A_481] : memref<1000000x128xf32, #tpu.memory_space<hbm>> -> memref<128x128xf32, #tpu.memory_space<hbm>>
      %dma_wait3A_483 = arith.constant 0 : i32
      %dma_wait3A_484 = arith.constant 0 : i32
      %dma_wait3A_485 = tpu.memref_slice %arg6[%dma_wait3A_475, %dma_wait3A_483, %dma_wait3A_484] : memref<2x256x128xf32, #tpu.memory_space<vmem>> -> memref<1x128x128xf32, #tpu.memory_space<vmem>>
      %dma_wait3A_486 = tpu.memref_squeeze %dma_wait3A_485 : memref<1x128x128xf32, #tpu.memory_space<vmem>> -> memref<128x128xf32, #tpu.memory_space<vmem>>
      %dma_wait3A_487 = arith.constant 0 : i32
      %dma_wait3A_488 = arith.constant 0 : i32
      %dma_wait3A_489 = tpu.memref_slice %arg3[%dma_wait3A_487, %dma_wait3A_488] : memref<1000000x128xf32, #tpu.memory_space<hbm>> -> memref<128x128xf32, #tpu.memory_space<hbm>>
      tpu.wait_dma2 semaphore(%arg8 : memref<!tpu.dma_semaphore, #tpu.memory_space<semaphore_mem>>) src(%dma_wait3A_489 : memref<128x128xf32, #tpu.memory_space<hbm>>) dst(%dma_wait3A_486 : memref<128x128xf32, #tpu.memory_space<vmem>>)
      %dma_wait3A_490 = arith.constant 1 : i32
      %dma_wait3A_491 = arith.constant 128 : i32
      %dma_wait3A_492 = arith.constant 0 : i32
      %dma_wait3A_493 = tpu.memref_slice %arg6[%dma_wait3A_490, %dma_wait3A_491, %dma_wait3A_492] : memref<2x256x128xf32, #tpu.memory_space<vmem>> -> memref<1x128x128xf32, #tpu.memory_space<vmem>>
      %dma_wait3A_494 = tpu.memref_squeeze %dma_wait3A_493 : memref<1x128x128xf32, #tpu.memory_space<vmem>> -> memref<128x128xf32, #tpu.memory_space<vmem>>
      %dma_wait3A_495 = arith.constant 0 : i32
      %dma_wait3A_496 = arith.constant 0 : i32
      %dma_wait3A_497 = tpu.memref_slice %arg3[%dma_wait3A_495, %dma_wait3A_496] : memref<1000000x128xf32, #tpu.memory_space<hbm>> -> memref<128x128xf32, #tpu.memory_space<hbm>>
      %dma_wait3A_498 = arith.constant 128 : i32
      %dma_wait3A_499 = arith.constant 0 : i32
      %dma_wait3A_500 = tpu.memref_slice %arg6[%dma_wait3A_490, %dma_wait3A_498, %dma_wait3A_499] : memref<2x256x128xf32, #tpu.memory_space<vmem>> -> memref<1x128x128xf32, #tpu.memory_space<vmem>>
      %dma_wait3A_501 = tpu.memref_squeeze %dma_wait3A_500 : memref<1x128x128xf32, #tpu.memory_space<vmem>> -> memref<128x128xf32, #tpu.memory_space<vmem>>
      %dma_wait3A_502 = arith.constant 0 : i32
      %dma_wait3A_503 = arith.constant 0 : i32
      %dma_wait3A_504 = tpu.memref_slice %arg3[%dma_wait3A_502, %dma_wait3A_503] : memref<1000000x128xf32, #tpu.memory_space<hbm>> -> memref<128x128xf32, #tpu.memory_space<hbm>>
      tpu.wait_dma2 semaphore(%arg8 : memref<!tpu.dma_semaphore, #tpu.memory_space<semaphore_mem>>) src(%dma_wait3A_504 : memref<128x128xf32, #tpu.memory_space<hbm>>) dst(%dma_wait3A_501 : memref<128x128xf32, #tpu.memory_space<vmem>>)
      %add3A_505 = arith.constant 1 : i32
      %add3A_506 = arith.addi %mul3A_338, %add3A_505 : i32
      %mul3A_507 = arith.constant 256 : i32
      %mul3A_508 = arith.muli %add3A_506, %mul3A_507 : i32
      %add3A_509 = arith.addi %mul3A_2, %mul3A_508 : i32
      %dma_start3A_510 = arith.constant 1 : i32
      %dma_start3A_511 = arith.constant 0 : i32
      %dma_start3A_512 = arith.constant 0 : i32
      %dma_start3A_513 = tpu.memref_slice %arg6[%dma_start3A_510, %dma_start3A_511, %dma_start3A_512] : memref<2x256x128xf32, #tpu.memory_space<vmem>> -> memref<1x256x128xf32, #tpu.memory_space<vmem>>
      %dma_start3A_514 = tpu.memref_squeeze %dma_start3A_513 : memref<1x256x128xf32, #tpu.memory_space<vmem>> -> memref<256x128xf32, #tpu.memory_space<vmem>>
      %dma_start3A_515 = arith.constant 0 : i32
      %dma_start3A_516 = tpu.memref_slice %arg4[%add3A_509, %dma_start3A_515] : memref<819200x128xf32, #tpu.memory_space<hbm>> -> memref<256x128xf32, #tpu.memory_space<hbm>>
      %dma_start3A_517 = arith.constant 0 : i32
      %dma_start3A_518 = tpu.memref_slice %arg4[%add3A_509, %dma_start3A_517] : memref<819200x128xf32, #tpu.memory_space<hbm>> -> memref<256x128xf32, #tpu.memory_space<hbm>>
      %dma_start3A_519 = arith.constant 0 : i32
      %dma_start3A_520 = arith.constant 0 : i32
      %dma_start3A_521 = tpu.memref_slice %arg6[%dma_start3A_510, %dma_start3A_519, %dma_start3A_520] : memref<2x256x128xf32, #tpu.memory_space<vmem>> -> memref<1x256x128xf32, #tpu.memory_space<vmem>>
      %dma_start3A_522 = tpu.memref_squeeze %dma_start3A_521 : memref<1x256x128xf32, #tpu.memory_space<vmem>> -> memref<256x128xf32, #tpu.memory_space<vmem>>
      tpu.enqueue_dma source(%dma_start3A_522 : memref<256x128xf32, #tpu.memory_space<vmem>>) target(%dma_start3A_518 : memref<256x128xf32, #tpu.memory_space<hbm>>) target_semaphore(%arg10 : memref<!tpu.dma_semaphore, #tpu.memory_space<semaphore_mem>>)
    }
    %scan3A_182 = arith.constant 48 : i32
    %dma_wait3A_183 = arith.constant 1 : i32
    %dma_wait3A_184 = arith.constant 0 : i32
    %dma_wait3A_185 = arith.constant 0 : i32
    %dma_wait3A_186 = tpu.memref_slice %arg6[%dma_wait3A_183, %dma_wait3A_184, %dma_wait3A_185] : memref<2x256x128xf32, #tpu.memory_space<vmem>> -> memref<1x256x128xf32, #tpu.memory_space<vmem>>
    %dma_wait3A_187 = tpu.memref_squeeze %dma_wait3A_186 : memref<1x256x128xf32, #tpu.memory_space<vmem>> -> memref<256x128xf32, #tpu.memory_space<vmem>>
    %dma_wait3A_188 = arith.constant 0 : i32
    %dma_wait3A_189 = tpu.memref_slice %arg4[%mul3A_2, %dma_wait3A_188] : memref<819200x128xf32, #tpu.memory_space<hbm>> -> memref<256x128xf32, #tpu.memory_space<hbm>>
    %dma_wait3A_190 = arith.constant 0 : i32
    %dma_wait3A_191 = tpu.memref_slice %arg4[%mul3A_2, %dma_wait3A_190] : memref<819200x128xf32, #tpu.memory_space<hbm>> -> memref<256x128xf32, #tpu.memory_space<hbm>>
    %dma_wait3A_192 = arith.constant 0 : i32
    %dma_wait3A_193 = arith.constant 0 : i32
    %dma_wait3A_194 = tpu.memref_slice %arg6[%dma_wait3A_183, %dma_wait3A_192, %dma_wait3A_193] : memref<2x256x128xf32, #tpu.memory_space<vmem>> -> memref<1x256x128xf32, #tpu.memory_space<vmem>>
    %dma_wait3A_195 = tpu.memref_squeeze %dma_wait3A_194 : memref<1x256x128xf32, #tpu.memory_space<vmem>> -> memref<256x128xf32, #tpu.memory_space<vmem>>
    tpu.wait_dma2 semaphore(%arg10 : memref<!tpu.dma_semaphore, #tpu.memory_space<semaphore_mem>>) src(%dma_wait3A_195 : memref<256x128xf32, #tpu.memory_space<vmem>>) dst(%dma_wait3A_191 : memref<256x128xf32, #tpu.memory_space<hbm>>)
    %dma_start3A_196 = arith.constant 198 : i32
    %dma_start3A_197 = arith.constant 1 : i32
    %dma_start3A_198 = arith.constant 0 : i32
    %dma_start3A_199 = arith.constant 0 : i32
    %dma_start3A_200 = tpu.memref_slice %arg6[%dma_start3A_197, %dma_start3A_198, %dma_start3A_199] : memref<2x256x128xf32, #tpu.memory_space<vmem>> -> memref<1x128x128xf32, #tpu.memory_space<vmem>>
    %dma_start3A_201 = tpu.memref_squeeze %dma_start3A_200 : memref<1x128x128xf32, #tpu.memory_space<vmem>> -> memref<128x128xf32, #tpu.memory_space<vmem>>
    %dma_start3A_202 = arith.constant 0 : i32
    %dma_start3A_203 = tpu.memref_slice %arg5[%dma_start3A_196, %dma_start3A_202] : memref<200x128xi32, #tpu.memory_space<vmem>> -> memref<1x128xi32, #tpu.memory_space<vmem>>
    %dma_start3A_204 = tpu.memref_squeeze %dma_start3A_203 : memref<1x128xi32, #tpu.memory_space<vmem>> -> memref<128xi32, #tpu.memory_space<vmem>>
    %dma_start3A_205 = arith.constant 0 : i32
    %dma_start3A_206 = arith.constant 0 : i32
    %dma_start3A_207 = tpu.memref_slice %arg3[%dma_start3A_205, %dma_start3A_206] : memref<1000000x128xf32, #tpu.memory_space<hbm>> -> memref<1000000x128xf32, #tpu.memory_space<hbm>>
    tpu.enqueue_indirect_dma source(%dma_start3A_207 : memref<1000000x128xf32, #tpu.memory_space<hbm>>) target(%dma_start3A_201 : memref<128x128xf32, #tpu.memory_space<vmem>>) offsets(%dma_start3A_204 : memref<128xi32, #tpu.memory_space<vmem>>) semaphore(%arg8 : memref<!tpu.dma_semaphore, #tpu.memory_space<semaphore_mem>>)
    %dma_start3A_208 = arith.constant 199 : i32
    %dma_start3A_209 = arith.constant 1 : i32
    %dma_start3A_210 = arith.constant 128 : i32
    %dma_start3A_211 = arith.constant 0 : i32
    %dma_start3A_212 = tpu.memref_slice %arg6[%dma_start3A_209, %dma_start3A_210, %dma_start3A_211] : memref<2x256x128xf32, #tpu.memory_space<vmem>> -> memref<1x128x128xf32, #tpu.memory_space<vmem>>
    %dma_start3A_213 = tpu.memref_squeeze %dma_start3A_212 : memref<1x128x128xf32, #tpu.memory_space<vmem>> -> memref<128x128xf32, #tpu.memory_space<vmem>>
    %dma_start3A_214 = arith.constant 0 : i32
    %dma_start3A_215 = tpu.memref_slice %arg5[%dma_start3A_208, %dma_start3A_214] : memref<200x128xi32, #tpu.memory_space<vmem>> -> memref<1x128xi32, #tpu.memory_space<vmem>>
    %dma_start3A_216 = tpu.memref_squeeze %dma_start3A_215 : memref<1x128xi32, #tpu.memory_space<vmem>> -> memref<128xi32, #tpu.memory_space<vmem>>
    %dma_start3A_217 = arith.constant 0 : i32
    %dma_start3A_218 = arith.constant 0 : i32
    %dma_start3A_219 = tpu.memref_slice %arg3[%dma_start3A_217, %dma_start3A_218] : memref<1000000x128xf32, #tpu.memory_space<hbm>> -> memref<1000000x128xf32, #tpu.memory_space<hbm>>
    tpu.enqueue_indirect_dma source(%dma_start3A_219 : memref<1000000x128xf32, #tpu.memory_space<hbm>>) target(%dma_start3A_213 : memref<128x128xf32, #tpu.memory_space<vmem>>) offsets(%dma_start3A_216 : memref<128xi32, #tpu.memory_space<vmem>>) semaphore(%arg8 : memref<!tpu.dma_semaphore, #tpu.memory_space<semaphore_mem>>)
    %dma_wait3A_220 = arith.constant 0 : i32
    %dma_wait3A_221 = arith.constant 0 : i32
    %dma_wait3A_222 = arith.constant 0 : i32
    %dma_wait3A_223 = tpu.memref_slice %arg6[%dma_wait3A_220, %dma_wait3A_221, %dma_wait3A_222] : memref<2x256x128xf32, #tpu.memory_space<vmem>> -> memref<1x128x128xf32, #tpu.memory_space<vmem>>
    %dma_wait3A_224 = tpu.memref_squeeze %dma_wait3A_223 : memref<1x128x128xf32, #tpu.memory_space<vmem>> -> memref<128x128xf32, #tpu.memory_space<vmem>>
    %dma_wait3A_225 = arith.constant 0 : i32
    %dma_wait3A_226 = arith.constant 0 : i32
    %dma_wait3A_227 = tpu.memref_slice %arg3[%dma_wait3A_225, %dma_wait3A_226] : memref<1000000x128xf32, #tpu.memory_space<hbm>> -> memref<128x128xf32, #tpu.memory_space<hbm>>
    %dma_wait3A_228 = arith.constant 0 : i32
    %dma_wait3A_229 = arith.constant 0 : i32
    %dma_wait3A_230 = tpu.memref_slice %arg6[%dma_wait3A_220, %dma_wait3A_228, %dma_wait3A_229] : memref<2x256x128xf32, #tpu.memory_space<vmem>> -> memref<1x128x128xf32, #tpu.memory_space<vmem>>
    %dma_wait3A_231 = tpu.memref_squeeze %dma_wait3A_230 : memref<1x128x128xf32, #tpu.memory_space<vmem>> -> memref<128x128xf32, #tpu.memory_space<vmem>>
    %dma_wait3A_232 = arith.constant 0 : i32
    %dma_wait3A_233 = arith.constant 0 : i32
    %dma_wait3A_234 = tpu.memref_slice %arg3[%dma_wait3A_232, %dma_wait3A_233] : memref<1000000x128xf32, #tpu.memory_space<hbm>> -> memref<128x128xf32, #tpu.memory_space<hbm>>
    tpu.wait_dma2 semaphore(%arg7 : memref<!tpu.dma_semaphore, #tpu.memory_space<semaphore_mem>>) src(%dma_wait3A_234 : memref<128x128xf32, #tpu.memory_space<hbm>>) dst(%dma_wait3A_231 : memref<128x128xf32, #tpu.memory_space<vmem>>)
    %dma_wait3A_235 = arith.constant 0 : i32
    %dma_wait3A_236 = arith.constant 128 : i32
    %dma_wait3A_237 = arith.constant 0 : i32
    %dma_wait3A_238 = tpu.memref_slice %arg6[%dma_wait3A_235, %dma_wait3A_236, %dma_wait3A_237] : memref<2x256x128xf32, #tpu.memory_space<vmem>> -> memref<1x128x128xf32, #tpu.memory_space<vmem>>
    %dma_wait3A_239 = tpu.memref_squeeze %dma_wait3A_238 : memref<1x128x128xf32, #tpu.memory_space<vmem>> -> memref<128x128xf32, #tpu.memory_space<vmem>>
    %dma_wait3A_240 = arith.constant 0 : i32
    %dma_wait3A_241 = arith.constant 0 : i32
    %dma_wait3A_242 = tpu.memref_slice %arg3[%dma_wait3A_240, %dma_wait3A_241] : memref<1000000x128xf32, #tpu.memory_space<hbm>> -> memref<128x128xf32, #tpu.memory_space<hbm>>
    %dma_wait3A_243 = arith.constant 128 : i32
    %dma_wait3A_244 = arith.constant 0 : i32
    %dma_wait3A_245 = tpu.memref_slice %arg6[%dma_wait3A_235, %dma_wait3A_243, %dma_wait3A_244] : memref<2x256x128xf32, #tpu.memory_space<vmem>> -> memref<1x128x128xf32, #tpu.memory_space<vmem>>
    %dma_wait3A_246 = tpu.memref_squeeze %dma_wait3A_245 : memref<1x128x128xf32, #tpu.memory_space<vmem>> -> memref<128x128xf32, #tpu.memory_space<vmem>>
    %dma_wait3A_247 = arith.constant 0 : i32
    %dma_wait3A_248 = arith.constant 0 : i32
    %dma_wait3A_249 = tpu.memref_slice %arg3[%dma_wait3A_247, %dma_wait3A_248] : memref<1000000x128xf32, #tpu.memory_space<hbm>> -> memref<128x128xf32, #tpu.memory_space<hbm>>
    tpu.wait_dma2 semaphore(%arg7 : memref<!tpu.dma_semaphore, #tpu.memory_space<semaphore_mem>>) src(%dma_wait3A_249 : memref<128x128xf32, #tpu.memory_space<hbm>>) dst(%dma_wait3A_246 : memref<128x128xf32, #tpu.memory_space<vmem>>)
    %add3A_250 = arith.constant 25088 : i32
    %add3A_251 = arith.addi %mul3A_2, %add3A_250 : i32
    %dma_start3A_252 = arith.constant 0 : i32
    %dma_start3A_253 = arith.constant 0 : i32
    %dma_start3A_254 = arith.constant 0 : i32
    %dma_start3A_255 = tpu.memref_slice %arg6[%dma_start3A_252, %dma_start3A_253, %dma_start3A_254] : memref<2x256x128xf32, #tpu.memory_space<vmem>> -> memref<1x256x128xf32, #tpu.memory_space<vmem>>
    %dma_start3A_256 = tpu.memref_squeeze %dma_start3A_255 : memref<1x256x128xf32, #tpu.memory_space<vmem>> -> memref<256x128xf32, #tpu.memory_space<vmem>>
    %dma_start3A_257 = arith.constant 0 : i32
    %dma_start3A_258 = tpu.memref_slice %arg4[%add3A_251, %dma_start3A_257] : memref<819200x128xf32, #tpu.memory_space<hbm>> -> memref<256x128xf32, #tpu.memory_space<hbm>>
    %dma_start3A_259 = arith.constant 0 : i32
    %dma_start3A_260 = tpu.memref_slice %arg4[%add3A_251, %dma_start3A_259] : memref<819200x128xf32, #tpu.memory_space<hbm>> -> memref<256x128xf32, #tpu.memory_space<hbm>>
    %dma_start3A_261 = arith.constant 0 : i32
    %dma_start3A_262 = arith.constant 0 : i32
    %dma_start3A_263 = tpu.memref_slice %arg6[%dma_start3A_252, %dma_start3A_261, %dma_start3A_262] : memref<2x256x128xf32, #tpu.memory_space<vmem>> -> memref<1x256x128xf32, #tpu.memory_space<vmem>>
    %dma_start3A_264 = tpu.memref_squeeze %dma_start3A_263 : memref<1x256x128xf32, #tpu.memory_space<vmem>> -> memref<256x128xf32, #tpu.memory_space<vmem>>
    tpu.enqueue_dma source(%dma_start3A_264 : memref<256x128xf32, #tpu.memory_space<vmem>>) target(%dma_start3A_260 : memref<256x128xf32, #tpu.memory_space<hbm>>) target_semaphore(%arg9 : memref<!tpu.dma_semaphore, #tpu.memory_space<semaphore_mem>>)
    %dma_wait3A_265 = arith.constant 1 : i32
    %dma_wait3A_266 = arith.constant 0 : i32
    %dma_wait3A_267 = arith.constant 0 : i32
    %dma_wait3A_268 = tpu.memref_slice %arg6[%dma_wait3A_265, %dma_wait3A_266, %dma_wait3A_267] : memref<2x256x128xf32, #tpu.memory_space<vmem>> -> memref<1x128x128xf32, #tpu.memory_space<vmem>>
    %dma_wait3A_269 = tpu.memref_squeeze %dma_wait3A_268 : memref<1x128x128xf32, #tpu.memory_space<vmem>> -> memref<128x128xf32, #tpu.memory_space<vmem>>
    %dma_wait3A_270 = arith.constant 0 : i32
    %dma_wait3A_271 = arith.constant 0 : i32
    %dma_wait3A_272 = tpu.memref_slice %arg3[%dma_wait3A_270, %dma_wait3A_271] : memref<1000000x128xf32, #tpu.memory_space<hbm>> -> memref<128x128xf32, #tpu.memory_space<hbm>>
    %dma_wait3A_273 = arith.constant 0 : i32
    %dma_wait3A_274 = arith.constant 0 : i32
    %dma_wait3A_275 = tpu.memref_slice %arg6[%dma_wait3A_265, %dma_wait3A_273, %dma_wait3A_274] : memref<2x256x128xf32, #tpu.memory_space<vmem>> -> memref<1x128x128xf32, #tpu.memory_space<vmem>>
    %dma_wait3A_276 = tpu.memref_squeeze %dma_wait3A_275 : memref<1x128x128xf32, #tpu.memory_space<vmem>> -> memref<128x128xf32, #tpu.memory_space<vmem>>
    %dma_wait3A_277 = arith.constant 0 : i32
    %dma_wait3A_278 = arith.constant 0 : i32
    %dma_wait3A_279 = tpu.memref_slice %arg3[%dma_wait3A_277, %dma_wait3A_278] : memref<1000000x128xf32, #tpu.memory_space<hbm>> -> memref<128x128xf32, #tpu.memory_space<hbm>>
    tpu.wait_dma2 semaphore(%arg8 : memref<!tpu.dma_semaphore, #tpu.memory_space<semaphore_mem>>) src(%dma_wait3A_279 : memref<128x128xf32, #tpu.memory_space<hbm>>) dst(%dma_wait3A_276 : memref<128x128xf32, #tpu.memory_space<vmem>>)
    %dma_wait3A_280 = arith.constant 1 : i32
    %dma_wait3A_281 = arith.constant 128 : i32
    %dma_wait3A_282 = arith.constant 0 : i32
    %dma_wait3A_283 = tpu.memref_slice %arg6[%dma_wait3A_280, %dma_wait3A_281, %dma_wait3A_282] : memref<2x256x128xf32, #tpu.memory_space<vmem>> -> memref<1x128x128xf32, #tpu.memory_space<vmem>>
    %dma_wait3A_284 = tpu.memref_squeeze %dma_wait3A_283 : memref<1x128x128xf32, #tpu.memory_space<vmem>> -> memref<128x128xf32, #tpu.memory_space<vmem>>
    %dma_wait3A_285 = arith.constant 0 : i32
    %dma_wait3A_286 = arith.constant 0 : i32
    %dma_wait3A_287 = tpu.memref_slice %arg3[%dma_wait3A_285, %dma_wait3A_286] : memref<1000000x128xf32, #tpu.memory_space<hbm>> -> memref<128x128xf32, #tpu.memory_space<hbm>>
    %dma_wait3A_288 = arith.constant 128 : i32
    %dma_wait3A_289 = arith.constant 0 : i32
    %dma_wait3A_290 = tpu.memref_slice %arg6[%dma_wait3A_280, %dma_wait3A_288, %dma_wait3A_289] : memref<2x256x128xf32, #tpu.memory_space<vmem>> -> memref<1x128x128xf32, #tpu.memory_space<vmem>>
    %dma_wait3A_291 = tpu.memref_squeeze %dma_wait3A_290 : memref<1x128x128xf32, #tpu.memory_space<vmem>> -> memref<128x128xf32, #tpu.memory_space<vmem>>
    %dma_wait3A_292 = arith.constant 0 : i32
    %dma_wait3A_293 = arith.constant 0 : i32
    %dma_wait3A_294 = tpu.memref_slice %arg3[%dma_wait3A_292, %dma_wait3A_293] : memref<1000000x128xf32, #tpu.memory_space<hbm>> -> memref<128x128xf32, #tpu.memory_space<hbm>>
    tpu.wait_dma2 semaphore(%arg8 : memref<!tpu.dma_semaphore, #tpu.memory_space<semaphore_mem>>) src(%dma_wait3A_294 : memref<128x128xf32, #tpu.memory_space<hbm>>) dst(%dma_wait3A_291 : memref<128x128xf32, #tpu.memory_space<vmem>>)
    %add3A_295 = arith.constant 25344 : i32
    %add3A_296 = arith.addi %mul3A_2, %add3A_295 : i32
    %dma_start3A_297 = arith.constant 1 : i32
    %dma_start3A_298 = arith.constant 0 : i32
    %dma_start3A_299 = arith.constant 0 : i32
    %dma_start3A_300 = tpu.memref_slice %arg6[%dma_start3A_297, %dma_start3A_298, %dma_start3A_299] : memref<2x256x128xf32, #tpu.memory_space<vmem>> -> memref<1x256x128xf32, #tpu.memory_space<vmem>>
    %dma_start3A_301 = tpu.memref_squeeze %dma_start3A_300 : memref<1x256x128xf32, #tpu.memory_space<vmem>> -> memref<256x128xf32, #tpu.memory_space<vmem>>
    %dma_start3A_302 = arith.constant 0 : i32
    %dma_start3A_303 = tpu.memref_slice %arg4[%add3A_296, %dma_start3A_302] : memref<819200x128xf32, #tpu.memory_space<hbm>> -> memref<256x128xf32, #tpu.memory_space<hbm>>
    %dma_start3A_304 = arith.constant 0 : i32
    %dma_start3A_305 = tpu.memref_slice %arg4[%add3A_296, %dma_start3A_304] : memref<819200x128xf32, #tpu.memory_space<hbm>> -> memref<256x128xf32, #tpu.memory_space<hbm>>
    %dma_start3A_306 = arith.constant 0 : i32
    %dma_start3A_307 = arith.constant 0 : i32
    %dma_start3A_308 = tpu.memref_slice %arg6[%dma_start3A_297, %dma_start3A_306, %dma_start3A_307] : memref<2x256x128xf32, #tpu.memory_space<vmem>> -> memref<1x256x128xf32, #tpu.memory_space<vmem>>
    %dma_start3A_309 = tpu.memref_squeeze %dma_start3A_308 : memref<1x256x128xf32, #tpu.memory_space<vmem>> -> memref<256x128xf32, #tpu.memory_space<vmem>>
    tpu.enqueue_dma source(%dma_start3A_309 : memref<256x128xf32, #tpu.memory_space<vmem>>) target(%dma_start3A_305 : memref<256x128xf32, #tpu.memory_space<hbm>>) target_semaphore(%arg10 : memref<!tpu.dma_semaphore, #tpu.memory_space<semaphore_mem>>)
    %dma_wait3A_310 = arith.constant 0 : i32
    %dma_wait3A_311 = arith.constant 0 : i32
    %dma_wait3A_312 = arith.constant 0 : i32
    %dma_wait3A_313 = tpu.memref_slice %arg6[%dma_wait3A_310, %dma_wait3A_311, %dma_wait3A_312] : memref<2x256x128xf32, #tpu.memory_space<vmem>> -> memref<1x256x128xf32, #tpu.memory_space<vmem>>
    %dma_wait3A_314 = tpu.memref_squeeze %dma_wait3A_313 : memref<1x256x128xf32, #tpu.memory_space<vmem>> -> memref<256x128xf32, #tpu.memory_space<vmem>>
    %dma_wait3A_315 = arith.constant 0 : i32
    %dma_wait3A_316 = tpu.memref_slice %arg4[%mul3A_2, %dma_wait3A_315] : memref<819200x128xf32, #tpu.memory_space<hbm>> -> memref<256x128xf32, #tpu.memory_space<hbm>>
    %dma_wait3A_317 = arith.constant 0 : i32
    %dma_wait3A_318 = tpu.memref_slice %arg4[%mul3A_2, %dma_wait3A_317] : memref<819200x128xf32, #tpu.memory_space<hbm>> -> memref<256x128xf32, #tpu.memory_space<hbm>>
    %dma_wait3A_319 = arith.constant 0 : i32
    %dma_wait3A_320 = arith.constant 0 : i32
    %dma_wait3A_321 = tpu.memref_slice %arg6[%dma_wait3A_310, %dma_wait3A_319, %dma_wait3A_320] : memref<2x256x128xf32, #tpu.memory_space<vmem>> -> memref<1x256x128xf32, #tpu.memory_space<vmem>>
    %dma_wait3A_322 = tpu.memref_squeeze %dma_wait3A_321 : memref<1x256x128xf32, #tpu.memory_space<vmem>> -> memref<256x128xf32, #tpu.memory_space<vmem>>
    tpu.wait_dma2 semaphore(%arg9 : memref<!tpu.dma_semaphore, #tpu.memory_space<semaphore_mem>>) src(%dma_wait3A_322 : memref<256x128xf32, #tpu.memory_space<vmem>>) dst(%dma_wait3A_318 : memref<256x128xf32, #tpu.memory_space<hbm>>)
    %dma_wait3A_323 = arith.constant 1 : i32
    %dma_wait3A_324 = arith.constant 0 : i32
    %dma_wait3A_325 = arith.constant 0 : i32
    %dma_wait3A_326 = tpu.memref_slice %arg6[%dma_wait3A_323, %dma_wait3A_324, %dma_wait3A_325] : memref<2x256x128xf32, #tpu.memory_space<vmem>> -> memref<1x256x128xf32, #tpu.memory_space<vmem>>
    %dma_wait3A_327 = tpu.memref_squeeze %dma_wait3A_326 : memref<1x256x128xf32, #tpu.memory_space<vmem>> -> memref<256x128xf32, #tpu.memory_space<vmem>>
    %dma_wait3A_328 = arith.constant 0 : i32
    %dma_wait3A_329 = tpu.memref_slice %arg4[%mul3A_2, %dma_wait3A_328] : memref<819200x128xf32, #tpu.memory_space<hbm>> -> memref<256x128xf32, #tpu.memory_space<hbm>>
    %dma_wait3A_330 = arith.constant 0 : i32
    %dma_wait3A_331 = tpu.memref_slice %arg4[%mul3A_2, %dma_wait3A_330] : memref<819200x128xf32, #tpu.memory_space<hbm>> -> memref<256x128xf32, #tpu.memory_space<hbm>>
    %dma_wait3A_332 = arith.constant 0 : i32
    %dma_wait3A_333 = arith.constant 0 : i32
    %dma_wait3A_334 = tpu.memref_slice %arg6[%dma_wait3A_323, %dma_wait3A_332, %dma_wait3A_333] : memref<2x256x128xf32, #tpu.memory_space<vmem>> -> memref<1x256x128xf32, #tpu.memory_space<vmem>>
    %dma_wait3A_335 = tpu.memref_squeeze %dma_wait3A_334 : memref<1x256x128xf32, #tpu.memory_space<vmem>> -> memref<256x128xf32, #tpu.memory_space<vmem>>
    tpu.wait_dma2 semaphore(%arg10 : memref<!tpu.dma_semaphore, #tpu.memory_space<semaphore_mem>>) src(%dma_wait3A_335 : memref<256x128xf32, #tpu.memory_space<vmem>>) dst(%dma_wait3A_331 : memref<256x128xf32, #tpu.memory_space<hbm>>)
    return
  }
}

</mosaic_0001>

<sc_bundles>
// kernel: kernel.3.cloned.1.call-start
scs
__scs_entry_jumppad:
0x0: {  	(pc) =	sbr.rel $0x88, $3  }
0x1: {  	(tag) =	ssettag $0x0;
	lr =	simm.s32 $0x1  }
0x2: {  	[smem:$0x3F9F] =	sst lr;
	_ =	strace $0xD0000000  }
0x3: {  	_ = 	snop  }
0x4: {  	_ = 	snop  }
0x5: {  	_ = 	snop  }
0x6: {  	_ = 	snop  }
0x7: {  	_ = 	snop  }
__scs_overlays_trampoline_lowered:
0x8: {  	[smem:$0x3FAE] =	sst s0  }
0x9: {  	[smem:$0x3FAF] =	sst s1  }
0xa: {  	[smem:$0x3FB0] =	sst s2  }
0xb: {  	[smem:$0x3FB1] =	sst s3  }
0xc: {  	[smem:$0x3FB2] =	sst s4  }
0xd: {  	[smem:$0x3FB3] =	sst s5  }
0xe: {  	[smem:$0x3FB4] =	sst s6  }
0xf: {  	[smem:$0x3FB5] =	sst s7  }
0x10: {  	[smem:$0x3FB6] =	sst s8  }
0x11: {  	[smem:$0x3FB7] =	sst s9;
	s0 =	simm.s32 @!p0 $0x0  }
0x12: {  	s1 =	sld [smem:$0x3F9D];
	s0 =	simm.s32 @p0 $0x1  }
0x13: {  	[smem:$0x3FB8] =	sst s0;
	s0 =	simm.s32 @!p1 $0x0  }
0x14: {  	s2 =	sld [smem:$0x3F9C];
	s0 =	simm.s32 @p1 $0x1  }
0x15: {  	[smem:$0x3FB9] =	sst s0;
	s0 =	simm.s32 @!p2 $0x0  }
0x16: {  	s3 =	sld [smem:$0x3FDB];
	s0 =	simm.s32 @p2 $0x1  }
0x17: {  	s4 =	simm.s32 $0x1BF5;
	[smem:$0x3FBB] =	sst s0  }
0x18: {  	s0 =	sld [smem:$0x3F9E];
	_ =	swait.ge [sflag:s4], $0x0  }
0x19: {  	s7 =	sld [smem:$0x3F9F]  }
0x1a: {  	s8 =	sadd.s32 $0xFFFFE003, lr  }
0x1b: {  	s9 =	sadd.s32 $0xFFFFFEF7, lr;
	s5 =	simm.s32 $0xFFFFFFFF;
	p2 =	slt.u32 s8, $0xFFFFF086  }
0x1c: {  	p1 =	slt.u32 s9, $0xF7A;
	s5 =	simm.s32 @!p2 $0x0  }
0x1d: {  	s5 =	simm.s32 @p1 $0x1;
	p0 =	seq.s32 s7, s2  }
0x1e: {  	s7 =	smul.u32 @!p0 $0xF7A, s2;
	p2 =	seq.s32 @!p0 s5, $0x0  }
0x1f: {  	s9 =	smul.u32 $0xF7A, s1;
	s8 =	simm.s32 @!p0 $0x1BF5;
	p2 =	por !p2, p0  }
0x20: {  	[sflag:s8] =	ssyncset.s32 @!p0 $0xFFFFF086;
	s6 =	sadd.s32 @!p0 s3, s7;
	s7 =	simm.s32 @!p0 $0x108  }
0x21: {  	s3 =	sadd.s32 s3, s9;
	s6 =	sadd.s32 @!p0 $0x88, s6;
	s7 =	simm.s32 @p2 $0x1082  }
0x22: {  	[simem:s7], [sflag:s8] =	dma.local @!p0 [hbm:s6], $0xF7A  }
0x23: {  	s9 =	sor.u32 $0xD0000000, s2;
	s6 =	simm.s32 $0x108;
	_ =	swait.ge @!p0 [sflag:s8], $0x0  }
0x24: {  	s3 =	sadd.s32 $0x88, s3;
	s6 =	simm.s32 @!p1 $0x1082;
	[sflag:s4] =	ssyncset.s32 $0xFFFFF086  }
0x25: {  	[simem:s6], [sflag:s4] =	dma.local [hbm:s3], $0xF7A  }
0x26: {  	[smem:$0x3F9F] =	sst s1;
	(tag) =	ssettag s2;
	_ =	strace s9  }
0x27: {  	s1 =	sld [smem:$0x3FAF]  }
0x28: {  	s2 =	sld [smem:$0x3FB0]  }
0x29: {  	s4 =	sld [smem:$0x3FB2]  }
0x2a: {  	p0 =	seq.s32 s5, $0x0;
	s5 =	sld [smem:$0x3FB3]  }
0x2b: {  	s6 =	sld [smem:$0x3FB4]  }
0x2c: {  	s7 =	sld [smem:$0x3FB5]  }
0x2d: {  	s3 =	simm.s32 $0x108;
	s8 =	sld [smem:$0x3FB6]  }
0x2e: {  	s3 =	simm.s32 @!p0 $0x1082;
	s9 =	sld [smem:$0x3FB7]  }
0x2f: {  	lr =	sadd.s32 s0, s3;
	s0 =	sld [smem:$0x3FAE]  }
0x30: {  	s3 =	sld [smem:$0x3FB1]  }
0x31: {  	[smem:$0x3FBA] =	sst s10  }
0x32: {  	s10 =	sld [smem:$0x3FB8];
	_ =	sdelay $0x3  }
0x33: {  	p0 =	seq.s32 s10, $0x1;
	s10 =	sld [smem:$0x3FBA];
	_ =	sdelay $0x3  }
0x34: {  	[smem:$0x3FBA] =	sst s10  }
0x35: {  	s10 =	sld [smem:$0x3FB9];
	_ =	sdelay $0x3  }
0x36: {  	p1 =	seq.s32 s10, $0x1;
	s10 =	sld [smem:$0x3FBA];
	_ =	sdelay $0x3  }
0x37: {  	[smem:$0x3FBA] =	sst s10  }
0x38: {  	s10 =	sld [smem:$0x3FBB]  }
0x39: {  	_ = 	snop;
	(pc) =	sbr.ind lr, $3  }
0x3a: {  	_ = 	snop  }
0x3b: {  	_ = 	snop  }
0x3c: {  	p2 =	seq.s32 s10, $0x1;
	s10 =	sld [smem:$0x3FBA]  }
0x3d: {  	_ =	shalt  }
0x3e: {  	_ =	shalt  }
0x3f: {  	_ =	shalt  }
0x40: {  	_ =	shalt  }
0x41: {  	_ =	shalt  }
0x42: {  	_ =	shalt  }
0x43: {  	_ =	shalt  }
0x44: {  	_ =	shalt  }
0x45: {  	_ =	shalt  }
0x46: {  	_ =	shalt  }
0x47: {  	_ =	shalt  }
0x48: {  	_ =	shalt  }
0x49: {  	_ =	shalt  }
0x4a: {  	_ =	shalt  }
0x4b: {  	_ =	shalt  }
0x4c: {  	_ =	shalt  }
0x4d: {  	_ =	shalt  }
0x4e: {  	_ =	shalt  }
0x4f: {  	_ =	shalt  }
0x50: {  	_ =	shalt  }
0x51: {  	_ =	shalt  }
0x52: {  	_ =	shalt  }
0x53: {  	_ =	shalt  }
0x54: {  	_ =	shalt  }
0x55: {  	_ =	shalt  }
0x56: {  	_ =	shalt  }
0x57: {  	_ =	shalt  }
0x58: {  	_ =	shalt  }
0x59: {  	_ =	shalt  }
0x5a: {  	_ =	shalt  }
0x5b: {  	_ =	shalt  }
0x5c: {  	_ =	shalt  }
0x5d: {  	_ =	shalt  }
0x5e: {  	_ =	shalt  }
0x5f: {  	_ =	shalt  }
0x60: {  	_ =	shalt  }
0x61: {  	_ =	shalt  }
0x62: {  	_ =	shalt  }
0x63: {  	_ =	shalt  }
0x64: {  	_ =	shalt  }
0x65: {  	_ =	shalt  }
0x66: {  	_ =	shalt  }
0x67: {  	_ =	shalt  }
0x68: {  	_ =	shalt  }
0x69: {  	_ =	shalt  }
0x6a: {  	_ =	shalt  }
0x6b: {  	_ =	shalt  }
0x6c: {  	_ =	shalt  }
0x6d: {  	_ =	shalt  }
0x6e: {  	_ =	shalt  }
0x6f: {  	_ =	shalt  }
0x70: {  	_ =	shalt  }
0x71: {  	_ =	shalt  }
0x72: {  	_ =	shalt  }
0x73: {  	_ =	shalt  }
0x74: {  	_ =	shalt  }
0x75: {  	_ =	shalt  }
0x76: {  	_ =	shalt  }
0x77: {  	_ =	shalt  }
0x78: {  	_ =	shalt  }
0x79: {  	_ =	shalt  }
0x7a: {  	_ =	shalt  }
0x7b: {  	_ =	shalt  }
0x7c: {  	_ =	shalt  }
0x7d: {  	_ =	shalt  }
0x7e: {  	_ =	shalt  }
0x7f: {  	_ =	shalt  }
0x80: {  	_ =	shalt  }
0x81: {  	_ =	shalt  }
0x82: {  	_ =	shalt  }
0x83: {  	_ =	shalt  }
0x84: {  	_ =	shalt  }
0x85: {  	_ =	shalt  }
0x86: {  	_ =	shalt  }
0x87: {  	_ =	shalt  }
.Lfunc_end0:
.L_simem_size_0:
called_computation.1_lowered:
.L_overlay_start_0:
0x88: {  	s2 =	sld [smem:$0x3FD9]  }
0x89: {  	s3 =	sld [smem:$0x3FFE];
	_ =	sdelay $0x1  }
0x8a: {  	s1 =	srdreg.scid  }
0x8b: {  	s0 =	sand.u32 $0x1, s1  }
0x8c: {  	s17 =	sshll.u32 s0, $0xA;
	s2 =	sadd.s32 s3, s2  }
0x8d: {  	s2 =	sadd.s32 s2, s17  }
0x8e: {  	[smem:$0x3FC6] =	sst s2  }
0x8f: {  	_ = 	snop  }
0x90: {  	s2 =	sld [smem:$0x3FD0];
	(tm) =	ssettm $0x1  }
0x91: {  	s18 =	sld [smem:$0x3FFB];
	_ =	sdelay $0x3  }
0x92: {  	_ =	strace s18  }
0x93: {  	s3 =	sld [smem:$0x3FFC];
	_ =	sdelay $0x3  }
0x94: {  	_ =	strace s3  }
0x95: {  	s3 =	sld [smem:$0x3FFD];
	_ =	sdelay $0x3  }
0x96: {  	_ =	strace s3  }
0x97: {  	_ =	strace $0x8FFFFFFF  }
0x98: {  	s19 =	sld [smem:$0x3FDB];
	_ =	sdelay $0x1  }
0x99: {  	s4 =	simm.s32 $_scs_section_size  }
0x9a: {  	s5 =	simm.s32 $_size__tile_overlayer_lowered;
	s6 =	simm.s32 $_tile_overlayer_lowered  }
0x9b: {  	s22 =	simm.s32 $0x1BFF;
	s21 =	sshll.u32 s6, $0x1;
	s3 =	sadd.s32 s4, s19  }
0x9c: {  	s7 =	simm.s32 $0x0;
	s20 =	sshll.u32 s5, $0x1;
	s5 =	sadd.s32 s21, s3  }
0x9d: {  	[timem:s7], [sflag:s22] =	dma.local [hbm:s5], s20  }
0x9e: {  	_ =	swait.ge [sflag:s22], s20  }
0x9f: {  	s4 =	ssub.s32 $0x0, s20;
	[sflag:s22] =	ssyncset.done $0x0  }
0xa0: {  	[sflag:s22] =	ssyncadd.s32 s4;
	_ =	sdelay $0x1  }
0xa1: {  	s23 =	simm.s32 $0x1B8B  }
0xa2: {  	_ =	swait.ge [sflag:s23], $0x1  }
0xa3: {  	[sflag:s23] =	ssyncset.done $0x0  }
0xa4: {  	s25 =	simm.s32 $0x1B8E;
	s24 =	sld [smem:$0x3FFE];
	[sflag:s23] =	ssyncadd.s32 $0xFFFFFFFF  }
0xa5: {  	s26 =	simm.s32 $execute0_lowered;
	[smem:$0x3FD2] =	sst s25  }
0xa6: {  	s5 =	sshll.u32 s26, $0x1;
	_ =	strace $0x80000046;
	[dreg:$0x1] =	wrdreg $0xFFFFFFFF  }
0xa7: {  	s28 =	simm.s32 $_size_execute0_lowered;
	s3 =	sadd.s32 s3, s5;
	[dreg:$0x0] =	wrdreg $0x0  }
0xa8: {  	s5 =	sshll.u32 s28, $0x1;
	[dreg:$0x2] =	wrdreg s3  }
0xa9: {  	[dreg:$0x3] =	wrdreg s5  }
0xaa: {  	[dreg:$0x4] =	wrdreg $0xC0  }
0xab: {  	_ =	task [dreg:s7], $0x5FFFF  }
0xac: {  	[dreg:$0x1] =	wrdreg $0xFFFFFFFF  }
0xad: {  	[dreg:$0x0] =	wrdreg $0x60  }
0xae: {  	[dreg:$0x2] =	wrdreg s2  }
0xaf: {  	[dreg:$0x3] =	wrdreg s24  }
0xb0: {  	[dreg:$0x4] =	wrdreg $0x9  }
0xb1: {  	_ =	task.clear_ibuf [dreg:s7], $0x5FFFF;
	_ =	strace $0x90000046  }
0xb2: {  	s29 =	simm.s32 $0x9;
	_ =	strace $0x80000048  }
0xb3: {  	_ =	swait.ge [sflag:s29], $0x1  }
0xb4: {  	[sflag:s29] =	ssyncadd.s32 $0xFFFFFFFF  }
0xb5: {  	_ =	strace $0x90000048  }
0xb6: {  	_ =	sfence  }
0xb7: {  	s30 =	sld [smem:$0x0];
	_ =	sdelay $0x2  }
0xb8: {  	s31 =	sshll.u32 s1, $0xD;
	s1 =	sshrl.u32 s1, $0x2  }
0xb9: {  	s3 =	sand.u32 $0x4000, s31;
	s1 =	sadd.s32 s1, s30  }
0xba: {  	s0 =	sor.u32 s3, s0;
	s1 =	sshll.u32 s1, $0x11  }
0xbb: {  	s0 =	sor.u32 s1, s0  }
0xbc: {  	s0 =	sadd.s32 $0x8F2B, s0  }
0xbd: {  	[sflag:s0] =	ssyncadd.remote.s32 $0x1  }
0xbe: {  	_ =	sfence.sel $0xFFFF  }
0xbf: {  	[dreg:$0x0] =	wrdreg $0xFFFFFFFF;
	(pc) =	sbr.abs _section_cstart, $3  }
0xc0: {  	[dreg:$0x1] =	wrdreg $0xFFFFFFFF  }
0xc1: {  	_ =	task.clear_ibuf [dreg:s7], $0x2FFFF;
	_ =	strace $0x9FFFFFFF  }
0xc2: {  	(tm) =	ssettm $0x7FFFFFFF  }
0xc3: {  	_ =	shalt  }
tec
execute0_lowered:
.L_overlay_start_1:
0x0: {  	(tag) =	ssettag $0x1  }
0x1: {  	s0 =	srdreg.scid;
	s1 =	rddreg [dreg:$0x0]  }
0x2: {  	s9 =	stileid.u32;
	s4 =	rddreg [dreg:$0x1];
	s12 =	simm.s32 $0x5  }
0x3: {  	s13 =	simm.s32 $0x80;
	s14 =	simm.s32 $0x6400;
	s15 =	simm.s32 $0xA400  }
0x4: {  	s17 =	simm.s32 $0xE400;
	s19 =	simm.s32 $0x12400;
	s20 =	simm.s32 $0x1  }
0x5: {  	s21 =	simm.s32 $0x3;
	s22 =	simm.s32 $0x200;
	s23 =	simm.s32 $0x280  }
0x6: {  	s24 =	simm.s32 $0x2;
	s25 =	simm.s32 $0x4;
	s28 =	simm.s32 $0x6380  }
0x7: {  	s0 =	sand.u32 $0x1, s0;
	s2 =	sshll.u32 s9, $0x1;
	s9 =	smul.u32 $0x640000, s9  }
0x8: {  	s3 =	sor.u32 s0, s2;
	s8 =	ssub.s32 $0x2, s0;
	s0 =	smul.u32 $0x320000, s0  }
0x9: {  	s29 =	simm.s32 $0x0;
	s2 =	simm.s32 $0x0;
	s5 =	smul.u32 $0xC80, s3  }
0xa: {  	s11 =	sadd.s32 $0xA00, s4;
	[smem:$0x7FF] =	sst s2;
	s6 =	smul.u32 $0x64000, s3  }
0xb: {  	s7 =	smul.u32 $0x320000, s3;
	s3 =	sadd.s32 $0xF42E00, s4;
	s26 =	sshrl.u32 s8, $0x1  }
0xc: {  	_ =	strace $0x80000047;
	s10 =	ssub.s32 s8, s26;
	s0 =	sadd.s32 s0, s9  }
0xd: {  	s26 =	simm.s32 $0x6300;
	s4 =	sadd.s32 s1, s5;
	s30 =	sshrl.u32 s7, $0x3  }
0xe: {  	s5 =	sadd.s32 s11, s6;
	s9 =	sor.u32 $0x10000, s0;
	s0 =	sor.u32 $0x18000, s0  }
0xf: {  	s1 =	sadd.s32 s11, s30;
	s6 =	sadd.s32 $0x1000, s5;
	s31 =	sshrl.u32 s9, $0x3  }
0x10: {  	s9 =	smax.u32 s10, $0x1;
	s0 =	sshrl.u32 s0, $0x3;
	s7 =	sadd.s32 $0x62000, s1  }
0x11: {  	s8 =	sadd.s32 $0x63000, s1;
	s10 =	sadd.s32 s31, s11;
	s0 =	sadd.s32 s0, s11  }
.LBB2_1:
0x12: {  	[tilespmem:s2], [sflag:$0x5] =	stream.linear.gather [hbm4b:s4+s2], $0x6400, $0x38;
	[tilespmem:$0x16400] =	vst v63  }
0x13: {  	_ =	swait.ge [sflag:s12], $0x6400  }
0x14: {  	[sflag:s12] =	ssyncset.done $0x0  }
0x15: {  	[sflag:s12] =	ssyncadd.s32 $0xFFFF9C00  }
0x16: {  	[tilespmem:s14], [sflag:$0x1] =	stream.indirect.gather [hbm4b:s3+s13], $0x80, s2, s13, $0xb8;
	[tilespmem:$0x16400] =	vst v63  }
0x17: {  	_ = 	snop  }
0x18: {  	[tilespmem:s15], [sflag:$0x1] =	stream.indirect.gather [hbm4b:s3+s13], $0x80, s13, s13, $0xb8;
	[tilespmem:$0x16400] =	vst v63  }
0x19: {  	s1 =	simm.s32 $0x100  }
0x1a: {  	[tilespmem:s17], [sflag:$0x2] =	stream.indirect.gather [hbm4b:s3+s13], $0x80, s1, s13, $0xb8;
	[tilespmem:$0x16400] =	vst v63  }
0x1b: {  	s16 =	simm.s32 $0x180  }
0x1c: {  	[tilespmem:s19], [sflag:$0x2] =	stream.indirect.gather [hbm4b:s3+s13], $0x80, s16, s13, $0xb8;
	[tilespmem:$0x16400] =	vst v63  }
0x1d: {  	_ =	swait.ge [sflag:s20], $0x4000  }
0x1e: {  	[sflag:s20] =	ssyncset.done $0x0  }
0x1f: {  	[sflag:s20] =	ssyncadd.s32 $0xFFFFC000  }
0x20: {  	_ =	swait.ge [sflag:s20], $0x4000  }
0x21: {  	[sflag:s20] =	ssyncset.done $0x0  }
0x22: {  	[sflag:s20] =	ssyncadd.s32 $0xFFFFC000  }
0x23: {  	[hbm4b:s5+s2] =	stream.linear.scatter [tilespmem:s14], [sflag:$0x3], $0x8000, $0x38;
	[tilespmem:$0x16400] =	vst v63  }
0x24: {  	_ =	swait.ge [sflag:s21], $0x8000  }
0x25: {  	[sflag:s21] =	ssyncset.done $0x0  }
0x26: {  	[sflag:s21] =	ssyncadd.s32 $0xFFFF8000  }
0x27: {  	[tilespmem:s14], [sflag:$0x1] =	stream.indirect.gather [hbm4b:s3+s13], $0x80, s22, s13, $0xb8;
	[tilespmem:$0x16400] =	vst v63  }
0x28: {  	_ = 	snop  }
0x29: {  	[tilespmem:s15], [sflag:$0x1] =	stream.indirect.gather [hbm4b:s3+s13], $0x80, s23, s13, $0xb8;
	[tilespmem:$0x16400] =	vst v63  }
0x2a: {  	_ =	swait.ge [sflag:s24], $0x4000  }
0x2b: {  	[sflag:s24] =	ssyncset.done $0x0  }
0x2c: {  	[sflag:s24] =	ssyncadd.s32 $0xFFFFC000  }
0x2d: {  	_ =	swait.ge [sflag:s24], $0x4000  }
0x2e: {  	[sflag:s24] =	ssyncset.done $0x0  }
0x2f: {  	[sflag:s24] =	ssyncadd.s32 $0xFFFFC000  }
0x30: {  	[hbm4b:s6+s2] =	stream.linear.scatter [tilespmem:s17], [sflag:$0x4], $0x8000, $0x38;
	[tilespmem:$0x16400] =	vst v63  }
0x31: {  	_ =	swait.ge [sflag:s25], $0x8000  }
0x32: {  	[sflag:s25] =	ssyncset.done $0x0  }
0x33: {  	s18 =	simm.s32 $0x300;
	[sflag:s25] =	ssyncadd.s32 $0xFFFF8000  }
0x34: {  	[tilespmem:s17], [sflag:$0x2] =	stream.indirect.gather [hbm4b:s3+s13], $0x80, s18, s13, $0xb8;
	[tilespmem:$0x16400] =	vst v63  }
0x35: {  	s11 =	simm.s32 $0x380  }
0x36: {  	[tilespmem:s19], [sflag:$0x2] =	stream.indirect.gather [hbm4b:s3+s13], $0x80, s11, s13, $0xb8;
	[tilespmem:$0x16400] =	vst v63  }
0x37: {  	_ =	swait.ge [sflag:s20], $0x4000  }
0x38: {  	[sflag:s20] =	ssyncset.done $0x0  }
0x39: {  	[sflag:s20] =	ssyncadd.s32 $0xFFFFC000  }
0x3a: {  	_ =	swait.ge [sflag:s20], $0x4000  }
0x3b: {  	[sflag:s20] =	ssyncset.done $0x0  }
0x3c: {  	[sflag:s20] =	ssyncadd.s32 $0xFFFFC000  }
0x3d: {  	[hbm4b:s10+s2] =	stream.linear.scatter [tilespmem:s14], [sflag:$0x3], $0x8000, $0x38;
	[tilespmem:$0x16400] =	vst v63  }
0x3e: {  	_ =	swait.ge [sflag:s21], $0x8000  }
0x3f: {  	[sflag:s21] =	ssyncset.done $0x0  }
0x40: {  	s16 =	simm.s32 $0x400;
	[sflag:s21] =	ssyncadd.s32 $0xFFFF8000  }
0x41: {  	[tilespmem:s14], [sflag:$0x1] =	stream.indirect.gather [hbm4b:s3+s13], $0x80, s16, s13, $0xb8;
	[tilespmem:$0x16400] =	vst v63  }
0x42: {  	s18 =	simm.s32 $0x480  }
0x43: {  	[tilespmem:s15], [sflag:$0x1] =	stream.indirect.gather [hbm4b:s3+s13], $0x80, s18, s13, $0xb8;
	[tilespmem:$0x16400] =	vst v63  }
0x44: {  	_ =	swait.ge [sflag:s24], $0x4000  }
0x45: {  	[sflag:s24] =	ssyncset.done $0x0  }
0x46: {  	[sflag:s24] =	ssyncadd.s32 $0xFFFFC000  }
0x47: {  	_ =	swait.ge [sflag:s24], $0x4000  }
0x48: {  	s30 =	simm.s32 $0x800;
	s31 =	sadd.s32 $0x2000, s10;
	[sflag:s24] =	ssyncset.done $0x0  }
0x49: {  	s1 =	sadd.s32 $0x2000, s0;
	s11 =	smov.u32 s0;
	[sflag:s24] =	ssyncadd.s32 $0xFFFFC000  }
.LBB2_2:
0x4a: {  	[hbm4b:s11+s2] =	stream.linear.scatter [tilespmem:s17], [sflag:$0x4], $0x8000, $0x38;
	[tilespmem:$0x16400] =	vst v63  }
0x4b: {  	s16 =	smov.u32 s30;
	s11 =	smov.u32 s1  }
0x4c: {  	p0 =	sne.s32 s30, $0x17800;
	s30 =	sadd.s32 $0x800, s30;
	_ =	swait.ge [sflag:s25], $0x8000  }
0x4d: {  	s16 =	sshra.s32 s16, $0x2;
	[sflag:s25] =	ssyncset.done $0x0  }
0x4e: {  	s18 =	sadd.s32 $0x300, s16;
	[sflag:s25] =	ssyncadd.s32 $0xFFFF8000  }
0x4f: {  	[tilespmem:s17], [sflag:$0x2] =	stream.indirect.gather [hbm4b:s3+s13], $0x80, s18, s13, $0xb8;
	[tilespmem:$0x16400] =	vst v63  }
0x50: {  	s18 =	sadd.s32 $0x380, s16  }
0x51: {  	[tilespmem:s19], [sflag:$0x2] =	stream.indirect.gather [hbm4b:s3+s13], $0x80, s18, s13, $0xb8;
	[tilespmem:$0x16400] =	vst v63  }
0x52: {  	_ =	swait.ge [sflag:s20], $0x4000  }
0x53: {  	[sflag:s20] =	ssyncset.done $0x0  }
0x54: {  	[sflag:s20] =	ssyncadd.s32 $0xFFFFC000  }
0x55: {  	_ =	swait.ge [sflag:s20], $0x4000  }
0x56: {  	[sflag:s20] =	ssyncset.done $0x0  }
0x57: {  	[sflag:s20] =	ssyncadd.s32 $0xFFFFC000  }
0x58: {  	[hbm4b:s31+s2] =	stream.linear.scatter [tilespmem:s14], [sflag:$0x3], $0x8000, $0x38;
	[tilespmem:$0x16400] =	vst v63  }
0x59: {  	_ =	swait.ge [sflag:s21], $0x8000  }
0x5a: {  	[sflag:s21] =	ssyncset.done $0x0  }
0x5b: {  	s18 =	sadd.s32 $0x400, s16;
	[sflag:s21] =	ssyncadd.s32 $0xFFFF8000  }
0x5c: {  	[tilespmem:s14], [sflag:$0x1] =	stream.indirect.gather [hbm4b:s3+s13], $0x80, s18, s13, $0xb8;
	[tilespmem:$0x16400] =	vst v63  }
0x5d: {  	s16 =	sadd.s32 $0x480, s16  }
0x5e: {  	[tilespmem:s15], [sflag:$0x1] =	stream.indirect.gather [hbm4b:s3+s13], $0x80, s16, s13, $0xb8;
	[tilespmem:$0x16400] =	vst v63  }
0x5f: {  	_ =	swait.ge [sflag:s24], $0x4000  }
.Ltmp0:
0x60: {  	[sflag:s24] =	ssyncset.done $0x0;
	(pc) =	sbr.rel @p0 .LBB2_2-.Ltmp0, $4  }
0x61: {  	[sflag:s24] =	ssyncadd.s32 $0xFFFFC000  }
0x62: {  	_ =	swait.ge [sflag:s24], $0x4000  }
0x63: {  	[sflag:s24] =	ssyncset.done $0x0  }
0x64: {  	s1 =	sadd.s32 $0x2000, s1;
	s31 =	sadd.s32 $0x2000, s31;
	[sflag:s24] =	ssyncadd.s32 $0xFFFFC000  }
0x65: {  	[hbm4b:s11+s2] =	stream.linear.scatter [tilespmem:s17], [sflag:$0x4], $0x8000, $0x38;
	[tilespmem:$0x16400] =	vst v63  }
0x66: {  	_ =	swait.ge [sflag:s25], $0x8000  }
0x67: {  	[sflag:s25] =	ssyncset.done $0x0  }
0x68: {  	[sflag:s25] =	ssyncadd.s32 $0xFFFF8000  }
0x69: {  	[tilespmem:s17], [sflag:$0x2] =	stream.indirect.gather [hbm4b:s3+s13], $0x80, s26, s13, $0xb8;
	[tilespmem:$0x16400] =	vst v63  }
0x6a: {  	_ = 	snop  }
0x6b: {  	[tilespmem:s19], [sflag:$0x2] =	stream.indirect.gather [hbm4b:s3+s13], $0x80, s28, s13, $0xb8;
	[tilespmem:$0x16400] =	vst v63  }
0x6c: {  	_ =	swait.ge [sflag:s20], $0x4000  }
0x6d: {  	[sflag:s20] =	ssyncset.done $0x0  }
0x6e: {  	[sflag:s20] =	ssyncadd.s32 $0xFFFFC000  }
0x6f: {  	_ =	swait.ge [sflag:s20], $0x4000  }
0x70: {  	[sflag:s20] =	ssyncset.done $0x0  }
0x71: {  	[sflag:s20] =	ssyncadd.s32 $0xFFFFC000  }
0x72: {  	[hbm4b:s7+s2] =	stream.linear.scatter [tilespmem:s14], [sflag:$0x3], $0x8000, $0x38;
	[tilespmem:$0x16400] =	vst v63  }
0x73: {  	_ =	swait.ge [sflag:s24], $0x4000  }
0x74: {  	[sflag:s24] =	ssyncset.done $0x0  }
0x75: {  	[sflag:s24] =	ssyncadd.s32 $0xFFFFC000  }
0x76: {  	_ =	swait.ge [sflag:s24], $0x4000  }
0x77: {  	[sflag:s24] =	ssyncset.done $0x0  }
0x78: {  	s29 =	sadd.s32 $0x1, s29;
	[sflag:s24] =	ssyncadd.s32 $0xFFFFC000  }
0x79: {  	[hbm4b:s8+s2] =	stream.linear.scatter [tilespmem:s17], [sflag:$0x4], $0x8000, $0x38;
	[tilespmem:$0x16400] =	vst v63  }
0x7a: {  	p0 =	sne.s32 s29, s9;
	_ =	swait.ge [sflag:s21], $0x8000  }
.Ltmp1:
0x7b: {  	[sflag:s21] =	ssyncset.done $0x0;
	(pc) =	sbr.rel @p0 .LBB2_1-.Ltmp1, $4  }
0x7c: {  	[sflag:s21] =	ssyncadd.s32 $0xFFFF8000  }
0x7d: {  	_ =	swait.ge [sflag:s25], $0x8000  }
0x7e: {  	[sflag:s25] =	ssyncset.done $0x0  }
0x7f: {  	[sflag:s25] =	ssyncadd.s32 $0xFFFF8000  }
0x80: {  	_ =	sfence.sel $0x180000  }
0x81: {  	[bflag:$0x0] =	sbarrier.arrive $0xFFFF  }
0x82: {  	_ =	strace $0x90000047  }
0x83: {  	s0 =	stileid.u32;
	[bflag:$0x2] =	sbarrier.arrive $0xFFFF  }
0x84: {  	p0 =	sne.s32 s0, $0x0;
	s0 =	rddreg [dreg:$0x2]  }
0x85: {  	s0 =	sadd.s32 @!p0 $0x100000, s0  }
0x86: {  	[sflag:s0] =	ssyncadd.tile.s32 @!p0 $0x1;
	_ =	shalt  }
.Lfunc_end2:
_tile_overlayer_lowered:
.L_overlay_start_2:
0x87: {  	(tag) =	ssettag $0x2  }
0x88: {  	s0 =	rddreg [dreg:$0x0];
	s2 =	stileid.u32  }
0x89: {  	s1 =	rddreg [dreg:$0x1];
	p0 =	sne.s32 s2, $0x0  }
0x8a: {  	s3 =	rddreg [dreg:$0x2];
	[bflag:$0x3] =	sbarrier.arrive $0xFFFF;
	s2 =	simm.s32 @!p0 $0x1C05  }
0x8b: {  	[timem:s3], [sflag:s2] =	dma.local @!p0 [hbm:s0], s1  }
0x8c: {  	s0 =	simm.s32 @!p0 $0x5  }
0x8d: {  	_ =	swait.ge @!p0 [sflag:s0], s1  }
0x8e: {  	s1 =	ssub.s32 @!p0 $0x0, s1;
	[sflag:s0] =	ssyncset.done @!p0 $0x0  }
0x8f: {  	[sflag:s0] =	ssyncadd.s32 @!p0 s1  }
0x90: {  	[bflag:$0x3] =	sbarrier.arrive $0xFFFF  }
0x91: {  	_ =	shalt  }

// kernel: sparse-core-data-format-call.cloned.1.call-start
scs
called_computation_lowered:
.L_overlay_start_0:
0x0: {  	s2 =	sld [smem:$0x3FD9]  }
0x1: {  	s3 =	sld [smem:$0x3FFE];
	_ =	sdelay $0x1  }
0x2: {  	s1 =	srdreg.scid  }
0x3: {  	s0 =	sand.u32 $0x1, s1  }
0x4: {  	s18 =	sshll.u32 s0, $0xA;
	s2 =	sadd.s32 s3, s2  }
0x5: {  	s2 =	sadd.s32 s2, s18  }
0x6: {  	[smem:$0x3FC6] =	sst s2  }
0x7: {  	_ = 	snop  }
0x8: {  	s2 =	sld [smem:$0x3FD0];
	(tm) =	ssettm $0x1  }
0x9: {  	s19 =	sld [smem:$0x3FFB];
	_ =	sdelay $0x3  }
0xa: {  	_ =	strace s19  }
0xb: {  	s3 =	sld [smem:$0x3FFC];
	_ =	sdelay $0x3  }
0xc: {  	_ =	strace s3  }
0xd: {  	s3 =	sld [smem:$0x3FFD];
	_ =	sdelay $0x3  }
0xe: {  	_ =	strace s3  }
0xf: {  	_ =	strace $0x8FFFFFFF  }
0x10: {  	s20 =	sld [smem:$0x3FDB];
	_ =	sdelay $0x1  }
0x11: {  	s4 =	simm.s32 $_scs_section_size  }
0x12: {  	s5 =	simm.s32 $_size__tile_overlayer_lowered;
	s6 =	simm.s32 $_tile_overlayer_lowered  }
0x13: {  	s23 =	simm.s32 $0x1BFF;
	s22 =	sshll.u32 s6, $0x1;
	s3 =	sadd.s32 s4, s20  }
0x14: {  	s7 =	simm.s32 $0x0;
	s21 =	sshll.u32 s5, $0x1;
	s5 =	sadd.s32 s22, s3  }
0x15: {  	[timem:s7], [sflag:s23] =	dma.local [hbm:s5], s21  }
0x16: {  	_ =	swait.ge [sflag:s23], s21  }
0x17: {  	s4 =	ssub.s32 $0x0, s21;
	[sflag:s23] =	ssyncset.done $0x0  }
0x18: {  	[sflag:s23] =	ssyncadd.s32 s4;
	_ =	sdelay $0x1  }
0x19: {  	s24 =	simm.s32 $0x1B8B  }
0x1a: {  	_ =	swait.ge [sflag:s24], $0x1  }
0x1b: {  	[sflag:s24] =	ssyncset.done $0x0  }
0x1c: {  	s26 =	simm.s32 $0x1B8E;
	s25 =	sld [smem:$0x3FFE];
	[sflag:s24] =	ssyncadd.s32 $0xFFFFFFFF  }
0x1d: {  	s27 =	simm.s32 $execute0_lowered;
	[smem:$0x3FD2] =	sst s26  }
0x1e: {  	s5 =	sshll.u32 s27, $0x1;
	_ =	strace $0x80000049;
	[dreg:$0x1] =	wrdreg $0xFFFFFFFF  }
0x1f: {  	s28 =	simm.s32 $_size_execute0_lowered;
	s3 =	sadd.s32 s3, s5;
	[dreg:$0x0] =	wrdreg $0x0  }
0x20: {  	s5 =	sshll.u32 s28, $0x1;
	[dreg:$0x2] =	wrdreg s3  }
0x21: {  	[dreg:$0x3] =	wrdreg s5  }
0x22: {  	[dreg:$0x4] =	wrdreg $0xC0  }
0x23: {  	_ =	task [dreg:s7], $0x5FFFF  }
0x24: {  	[dreg:$0x1] =	wrdreg $0xFFFFFFFF  }
0x25: {  	[dreg:$0x0] =	wrdreg $0x60  }
0x26: {  	[dreg:$0x2] =	wrdreg s25  }
0x27: {  	[dreg:$0x3] =	wrdreg s2  }
0x28: {  	[dreg:$0x4] =	wrdreg $0x9  }
0x29: {  	_ =	task.clear_ibuf [dreg:s7], $0x5FFFF;
	_ =	strace $0x90000049  }
0x2a: {  	s29 =	simm.s32 $0x9;
	_ =	strace $0x8000004B  }
0x2b: {  	_ =	swait.ge [sflag:s29], $0x1  }
0x2c: {  	[sflag:s29] =	ssyncadd.s32 $0xFFFFFFFF  }
0x2d: {  	_ =	strace $0x9000004B  }
0x2e: {  	_ =	sfence  }
0x2f: {  	s30 =	sld [smem:$0x0];
	_ =	sdelay $0x2  }
0x30: {  	s31 =	sshll.u32 s1, $0xD;
	s1 =	sshrl.u32 s1, $0x2  }
0x31: {  	s3 =	sand.u32 $0x4000, s31;
	s1 =	sadd.s32 s1, s30  }
0x32: {  	s0 =	sor.u32 s3, s0;
	s1 =	sshll.u32 s1, $0x11  }
0x33: {  	s0 =	sor.u32 s1, s0  }
0x34: {  	s0 =	sadd.s32 $0x8F2B, s0  }
0x35: {  	[sflag:s0] =	ssyncadd.remote.s32 $0x1  }
0x36: {  	_ =	sfence.sel $0xFFFF  }
0x37: {  	[dreg:$0x0] =	wrdreg $0xFFFFFFFF;
	(pc) =	sbr.abs _section_cstart, $3  }
0x38: {  	[dreg:$0x1] =	wrdreg $0xFFFFFFFF  }
0x39: {  	_ =	task.clear_ibuf [dreg:s7], $0x2FFFF;
	_ =	strace $0x9FFFFFFF  }
0x3a: {  	(tm) =	ssettm $0x7FFFFFFF  }
0x3b: {  	_ =	shalt  }
tec
execute0_lowered:
.L_overlay_start_1:
0x0: {  	(tag) =	ssettag $0x1  }
0x1: {  	s0 =	srdreg.scid  }
0x2: {  	s1 =	sshll.u32 s0, $0x4  }
0x3: {  	s0 =	stileid.u32;
	s1 =	sand.u32 $0x10, s1  }
0x4: {  	s1 =	sor.u32 s0, s1  }
0x5: {  	s6 =	rddreg [dreg:$0x0];
	s4 =	simm.s32 $0x1;
	s2 =	sshll.u32 s1, $0x7  }
0x6: {  	s7 =	simm.s32 $0x2;
	s12 =	simm.s32 $0x0;
	s1 =	ssub.s32 $0x1000, s2  }
0x7: {  	s8 =	simm.s32 $0x8000;
	s13 =	simm.s32 $0x0;
	s3 =	sand.u32 $0xF80, s1  }
0x8: {  	s9 =	simm.s32 $0x0;
	s5 =	sshrl.u32 s1, $0xC;
	p0 =	sne.s32 s3, $0x0  }
.Ltmp0:
0x9: {  	s1 =	rddreg [dreg:$0x2];
	s4 =	simm.s32 @!p0 $0x0;
	(pc) =	sbr.rel .LBB1_1-.Ltmp0, $4  }
0xa: {  	s11 =	simm.s32 $0x0;
	s3 =	rddreg [dreg:$0x1];
	s5 =	sadd.s32 s4, s5  }
0xb: {  	_ =	strace $0x8000004A;
	s4 =	simm.s32 $0x1;
	s5 =	smul.u32 $0xC8, s5  }
0xc: {  	s6 =	sadd.s32 $0xA00, s6;
	s10 =	smov.u32 s2;
	[sflag:s4] =	ssyncpa.u1 $0x0  }
0xd: {  	p0 =	por $0x0, $0x0;
	[sflag:s7] =	ssyncpa.u1 $0x0;
	s7 =	sor.u32 $0x1, s5  }
.LBB1_4:
0xe: {  	s16 =	sshll.u32 s13, $0x3;
	s17 =	sand.u32 $0x78, s13  }
0xf: {  	s30 =	sand.u32 $0x7E00, s13;
	s12 =	sshll.u32 s12, $0xF;
	s16 =	sand.u32 $0xC00, s16  }
0x10: {  	[tilespmem:s15+$0x810 ss:$0x81] =	vst.msk $0xffff, v2;
	s31 =	sand.u32 $0x7, s13;
	s16 =	sor.u32 s17, s16;
	s17 =	sadd.s32 s3, s30  }
0x11: {  	[tilespmem:s15+$0x1020 ss:$0x81] =	vst.msk $0xffff, v0;
	s13 =	sshll.u32 s31, $0x12;
	s12 =	sadd.s32 s12, s17;
	s16 =	sshrl.u32 s16, $0x3  }
0x12: {  	[tilespmem:s15+$0x0 ss:$0x81] =	vst.msk $0xffff, v1;
	s13 =	sor.u32 $0x400, s13;
	s12 =	sadd.s32 s16, s12  }
0x13: {  	[hbm4b:s12+s13] =	stream.strided.scatter [tilespmem:s14], [sflag:$0x2], $0x2000, s8, s13, $0x20;
	[tilespmem:$0x8080] =	vst v63  }
.LBB1_5:
0x14: {  	s14 =	sadd.s32 $0x1, s9  }
0x15: {  	s12 =	sadd.s32 $0x1000, s10;
	s16 =	smov.u32 s10;
	p2 =	sgt.s32 s14, $0xC7  }
0x16: {  	s16 =	smov.u32 @p2 s12  }
0x17: {  	s14 =	simm.s32 @p2 $0x0;
	p2 =	sgt.s32 s16, $0xFFF  }
0x18: {  	s16 =	smov.u32 @p2 s2;
	p2 =	sne.s32 s11, s7  }
.Ltmp1:
0x19: {  	p1 =	slt.u32 s11, $0x2;
	(pc) =	sbr.rel @!p2 .LBB1_6-.Ltmp1, $4  }
0x1a: {  	s15 =	simm.s32 @!p1 $0x2  }
0x1b: {  	s13 =	smov.u32 s10;
	p0 =	por !p0, !p0;
	_ =	swait.ge @!p1 [sflag:s15], $0x2000  }
0x1c: {  	s12 =	smov.u32 s9;
	[sflag:s15] =	ssyncset.done @!p1 $0x0;
	s9 =	smov.u32 s14  }
0x1d: {  	s11 =	sadd.s32 $0x1, s11;
	[sflag:s15] =	ssyncadd.s32 @!p1 $0xFFFFE000;
	s10 =	smov.u32 s16  }
.LBB1_1:
0x1e: {  	p1 =	sge.u32 s11, s5  }
0x1f: {  	s14 =	sand.u32 @!p1 $0x1FFFFFF, s9  }
0x20: {  	s15 =	smulhi.u32 @!p1 $0x147AE15, s14;
	_ =	sdelay $0x1  }
0x21: {  	s15 =	smul.u32 @!p1 $0xC8, s15  }
0x22: {  	s16 =	sxor.u32 @!p1 $0xFFFFFFFF, s11;
	s17 =	smul.u32 @!p1 $0xC80, s10  }
0x23: {  	s31 =	sadd.s32 $0xFFFFFFFF, s11;
	s16 =	sshll.u32 @!p1 s16, $0xD;
	s14 =	ssub.s32 @!p1 s14, s15  }
0x24: {  	s15 =	sand.u32 @!p1 $0x2000, s16;
	s16 =	sadd.s32 @!p1 s6, s17;
	s14 =	sshll.u32 @!p1 s14, $0x4  }
0x25: {  	s17 =	simm.s32 @!p1 $0x6400;
	s14 =	sadd.s32 @!p1 s14, s16;
	s16 =	simm.s32 @!p1 $0x40  }
0x26: {  	[tilespmem:s15], [sflag:$0x1] =	stream.strided.gather @!p1 [hbm4b:s14+s16], $0x2000, s17, s16, $0x38;
	[tilespmem:$0x8080] =	vst v63  }
0x27: {  	p1 =	sge.u32 s31, s5  }
.Ltmp2:
0x28: {  	_ = 	snop;
	(pc) =	sbr.rel @p1 .LBB1_5-.Ltmp2, $1  }
0x29: {  	_ =	sdelay $0x3  }
0x2a: {  	s14 =	simm.s32 $0x1  }
0x2b: {  	_ =	swait.ge [sflag:s4], $0x2000;
	s14 =	simm.s32 @!p0 $0x0  }
0x2c: {  	[sflag:s4] =	ssyncset.done $0x0;
	s15 =	sshll.u32 s14, $0xD  }
0x2d: {  	[sflag:s4] =	ssyncadd.s32 $0xFFFFE000;
	s18 =	sor.u32 $0x20, s15  }
0x2e: {  	s14 =	smul.u32 $0x8100, s14;
	v3 =	vld [tilespmem:s18+$0x10]  }
0x2f: {  	s30 =	sand.u32 $0x1, s11;
	v2 =	vld [tilespmem:s18+$0xFFFFFFF0]  }
0x30: {  	s15 =	smul.u32 $0x8100, s30;
	s14 =	sshrl.u32 s14, $0x2;
	v0 =	vld [tilespmem:s18+$0x0]  }
0x31: {  	v1 =	vld [tilespmem:s18+$0xFFFFFFE0];
	s16 =	sor.u32 $0x4000, s14  }
0x32: {  	s31 =	sshrl.u32 s15, $0x2;
	s15 =	sadd.s32 $0x0, s16  }
0x33: {  	s17 =	simm.s32 $0x4;
	s18 =	sadd.s32 $0x40, s18;
	s14 =	sor.u32 $0x4000, s31;
	[tilespmem:s15+$0x1830 ss:$0x81] =	vst.msk $0xffff, v3  }
.LBB1_3:
0x34: {  	v3 =	vld [tilespmem:s18+$0x10];
	p1 =	sne.s32 s17, $0x1FC;
	[tilespmem:s15+$0x810 ss:$0x81] =	vst.msk $0xffff, v2;
	s19 =	smov.u32 s17;
	s17 =	sadd.s32 $0x4, s17  }
.Ltmp3:
0x35: {  	v2 =	vld [tilespmem:s18+$0xFFFFFFF0];
	[tilespmem:s15+$0x1020 ss:$0x81] =	vst.msk $0xffff, v0;
	(pc) =	sbr.rel @p1 .LBB1_3-.Ltmp3, $4  }
0x36: {  	v0 =	vld [tilespmem:s18+$0x0];
	[tilespmem:s15+$0x0 ss:$0x81] =	vst.msk $0xffff, v1  }
0x37: {  	s15 =	sshra.s32 s19, $0x2;
	v1 =	vld [tilespmem:s18+$0xFFFFFFE0]  }
0x38: {  	s15 =	sadd.s32 s15, s16  }
0x39: {  	s18 =	sadd.s32 $0x40, s18;
	[tilespmem:s15+$0x1830 ss:$0x81] =	vst.msk $0xffff, v3  }
.Ltmp4:
0x3a: {  	_ = 	snop;
	(pc) =	sbr.rel .LBB1_4-.Ltmp4, $1  }
0x3b: {  	_ =	sdelay $0x3  }
.LBB1_6:
0x3c: {  	_ =	sfence.sel $0x180000  }
0x3d: {  	s2 =	simm.s32 $0x1;
	[bflag:$0x0] =	sbarrier.arrive $0xFFFF  }
0x3e: {  	s31 =	simm.s32 $0x2;
	[sflag:s2] =	ssyncpa.u1 $0x1  }
0x3f: {  	[sflag:s31] =	ssyncpa.u1 $0x1  }
0x40: {  	p0 =	sne.s32 s0, $0x0;
	_ =	strace $0x9000004A  }
0x41: {  	s0 =	sadd.s32 @!p0 $0x100000, s1;
	[bflag:$0x2] =	sbarrier.arrive $0xFFFF  }
0x42: {  	[sflag:s0] =	ssyncadd.tile.s32 @!p0 $0x1;
	_ =	shalt  }
.Lfunc_end1:
_tile_overlayer_lowered:
.L_overlay_start_2:
0x43: {  	(tag) =	ssettag $0x2  }
0x44: {  	s0 =	rddreg [dreg:$0x0];
	s2 =	stileid.u32  }
0x45: {  	s1 =	rddreg [dreg:$0x1];
	p0 =	sne.s32 s2, $0x0  }
0x46: {  	s3 =	rddreg [dreg:$0x2];
	[bflag:$0x3] =	sbarrier.arrive $0xFFFF;
	s2 =	simm.s32 @!p0 $0x1C01  }
0x47: {  	[timem:s3], [sflag:s2] =	dma.local @!p0 [hbm:s0], s1  }
0x48: {  	s0 =	simm.s32 @!p0 $0x1  }
0x49: {  	_ =	swait.ge @!p0 [sflag:s0], s1  }
0x4a: {  	s1 =	ssub.s32 @!p0 $0x0, s1;
	[sflag:s0] =	ssyncset.done @!p0 $0x0  }
0x4b: {  	[sflag:s0] =	ssyncadd.s32 @!p0 s1  }
0x4c: {  	[bflag:$0x3] =	sbarrier.arrive $0xFFFF  }
0x4d: {  	_ =	shalt  }

</sc_bundles>
